<compile_context>
chip_gen: v7x
topology: tpu7x:2x2x1
jax: 0.10.2.dev20260603
libtpu: 0.0.44.dev20260713+nightly
codegen_flags: <defaults>
</compile_context>

<pallas_src>
import dataclasses
import functools

import jax
import jax.numpy as jnp
from jax import lax
from jax.experimental import pallas as pl
from jax.experimental.pallas import tpu as pltpu
from jax.experimental.pallas import tpu_sc as plsc

B, C, H, W = 16, 256, 32, 32
HW = H * W
K = 1024

_SC_INFO = plsc.get_sparse_core_info()
NC, NS, L = _SC_INFO.num_cores, _SC_INFO.num_subcores, _SC_INFO.num_lanes
NW = NC * NS
MB = 4
PPW = B * HW // NW
GCH = 128
NCHUNKS = PPW // GCH


def _match_kernel(x_ref, bank_ref, idx_ref, pn_t_ref):
    b = pl.program_id(0)

    @pl.when(b == 0)
    def _():
        bank_t = lax.transpose(bank_ref[...], (1, 0))
        norm = jnp.sqrt(jnp.sum(bank_t * bank_t, axis=0, keepdims=True))
        pn_t_ref[...] = bank_t / jnp.maximum(norm, 1e-12)

    xb = x_ref[...].reshape(MB * HW, C)
    xnorm = jnp.sqrt(jnp.sum(xb * xb, axis=1, keepdims=True))
    xn = xb / jnp.maximum(xnorm, 1e-12)

    sim = jnp.dot(xn, pn_t_ref[...], preferred_element_type=jnp.float32)

    idx_col = jnp.argmax(sim, axis=1).astype(jnp.int32)
    idx_ref[...] = idx_col.reshape(MB, HW // 128, 128)


def _match(xr, bank):
    return pl.pallas_call(
        _match_kernel,
        grid=(B // MB,),
        in_specs=[
            pl.BlockSpec((MB, HW, C), lambda b: (b, 0, 0)),
            pl.BlockSpec((K, C), lambda b: (0, 0)),
        ],
        out_specs=pl.BlockSpec((MB, HW // 128, 128), lambda b: (b, 0, 0)),
        out_shape=jax.ShapeDtypeStruct((B, HW // 128, 128), jnp.int32),
        scratch_shapes=[pltpu.VMEM((C, K), jnp.float32)],
    )(xr, bank)


_SC_PARAMS = pltpu.CompilerParams()
if "needs_layout_passes" in pltpu.CompilerParams.__dataclass_fields__:
    _SC_PARAMS = dataclasses.replace(_SC_PARAMS, needs_layout_passes=False)


@functools.partial(
    pl.kernel,
    mesh=plsc.VectorSubcoreMesh(core_axis_name="c", subcore_axis_name="s"),
    compiler_params=_SC_PARAMS,
    out_type=jax.ShapeDtypeStruct((B * HW, C), jnp.float32),
    scratch_types=[
        pltpu.VMEM((NCHUNKS, GCH), jnp.int32),
        pltpu.VMEM((3, GCH, C), jnp.float32),
        pltpu.SemaphoreType.DMA,
        pltpu.SemaphoreType.DMA,
    ],
)
def _sc_gather(bank_hbm, idx_hbm, out_hbm, idxv, rows, gsem, wsem):
    wid = lax.axis_index("s") * NC + lax.axis_index("c")
    base = wid * PPW
    pltpu.sync_copy(idx_hbm.at[pl.ds(wid * NCHUNKS, NCHUNKS)], idxv)

    def _g(c):
        return pltpu.make_async_copy(
            bank_hbm.at[idxv.at[c]], rows.at[c % 3], gsem)

    def _w(c):
        return pltpu.make_async_copy(
            rows.at[c % 3], out_hbm.at[pl.ds(base + c * GCH, GCH)], wsem)

    _g(0).start()
    _g(1).start()
    for c in range(NCHUNKS):
        _g(c).wait()
        _w(c).start()
        if c >= 1:
            _w(c - 1).wait()
        if c + 2 < NCHUNKS:
            _g(c + 2).start()
    _w(NCHUNKS - 1).wait()


def kernel(x, prototype_bank):
    xr = x.transpose(0, 2, 3, 1).reshape(B, HW, C)
    idx8 = _match(xr, prototype_bank)
    idx = idx8.reshape(B, HW)
    idx2 = idx.reshape(B * HW // GCH, GCH)
    rows = _sc_gather(prototype_bank, idx2)
    out = rows.reshape(B, H, W, C).transpose(0, 3, 1, 2)
    return out, idx

# --- scband reference (transcript-rebuilt; emitter-appended) ---
"""Pipeline reference for scband-prototype-matching-model-16750372455063 (READ-ONLY COPY).

The authoritative reference and input builder live on the scoring server;
editing this copy changes nothing except your own understanding.
"""

import jax, jax.numpy as jnp
import numpy as np


def setup_inputs(seed: int = 0) -> dict:
    key = jax.random.key(seed)
    k1, k2 = jax.random.split(key)
    x = jax.random.normal(k1, (16, 256, 32, 32), dtype=jnp.float32)
    prototype_bank = jnp.abs(jax.random.normal(k2, (1024, 256), dtype=jnp.float32))
    return {"x": x, "prototype_bank": prototype_bank}


def reference(x, prototype_bank):
    B, C, H, W = x.shape
    xf = x.reshape(B, C, H * W)
    # F.normalize(x, p=2, dim=1): divide by max(norm, eps)
    xn = xf / jnp.maximum(jnp.linalg.norm(xf, axis=1, keepdims=True), 1e-12)
    pn = prototype_bank / jnp.maximum(
        jnp.linalg.norm(prototype_bank, axis=1, keepdims=True), 1e-12
    )
    # (x.unsqueeze(3) * p.t().unsqueeze(0).unsqueeze(2)).sum(dim=1) -> [B, HW, K]
    similarities = jnp.einsum("bcn,kc->bnk", xn, pn)
    indices = jnp.argmax(similarities, axis=2)  # [B, HW]
    # torch.index_select(prototype_bank, 0, indices.view(-1)) -> [B*HW, C]
    reconstructed = jnp.take(prototype_bank, indices.reshape(-1), axis=0)
    # faithful reshape sequence from the torch code
    reconstructed = reconstructed.reshape(B, C, H, W)
    reconstructed = reconstructed.reshape(B, H, W, C).transpose(0, 3, 1, 2)
    return reconstructed, indices

if __name__ == "__main__":
    import jax
    _d = setup_inputs()
    print(jax.jit(kernel)(*tuple(_d.values())))

</pallas_src>

<mosaic_0001>
#map = affine_map<(d0, d1) -> (0, 0)>
module attributes {stable_mosaic.version = 14 : i64} {
  func.func @_sc_gather(%arg0: i32, %arg1: i32, %arg2: memref<1024x256xf32, #tpu.memory_space<hbm>>, %arg3: memref<128x128xi32, #tpu.memory_space<hbm>>, %arg4: memref<16384x256xf32, #tpu.memory_space<hbm>>, %arg5: memref<4x128xi32, #tpu.memory_space<vmem>>, %arg6: memref<3x128x256xf32, #tpu.memory_space<vmem>>, %arg7: memref<!tpu.dma_semaphore, #tpu.memory_space<semaphore_mem>>, %arg8: memref<!tpu.dma_semaphore, #tpu.memory_space<semaphore_mem>>) attributes {dimension_semantics = [#tpu.dimension_semantics<core_parallel>, #tpu.dimension_semantics<subcore_parallel>], iteration_bounds = array<i64: 2, 16>, scalar_prefetch = 0 : i64, scratch_operands = 4 : i64, tpu.core_type = #tpu.core_type<sc_vector_subcore>, window_params = [{transform_indices = #map}, {transform_indices = #map}, {transform_indices = #map}]} {
    %mul3A = arith.constant 2 : i32
    %mul3A_0 = arith.muli %arg1, %mul3A : i32
    %add3A = arith.addi %mul3A_0, %arg0 : i32
    %mul3A_1 = arith.constant 512 : i32
    %mul3A_2 = arith.muli %add3A, %mul3A_1 : i32
    %mul3A_3 = arith.constant 4 : i32
    %mul3A_4 = arith.muli %add3A, %mul3A_3 : i32
    "tpu.region"() ({
      %run_scoped3A = tpu.sem_alloc : memref<!tpu.dma_semaphore, #tpu.memory_space<semaphore_mem>>
      %dma_start3A_219 = arith.constant 0 : i32
      %dma_start3A_220 = tpu.memref_slice %arg3[%mul3A_4, %dma_start3A_219] : memref<128x128xi32, #tpu.memory_space<hbm>> -> memref<4x128xi32, #tpu.memory_space<hbm>>
      %dma_start3A_221 = arith.constant 0 : i32
      %dma_start3A_222 = tpu.memref_slice %arg3[%mul3A_4, %dma_start3A_221] : memref<128x128xi32, #tpu.memory_space<hbm>> -> memref<4x128xi32, #tpu.memory_space<hbm>>
      tpu.enqueue_dma source(%dma_start3A_222 : memref<4x128xi32, #tpu.memory_space<hbm>>) target(%arg5 : memref<4x128xi32, #tpu.memory_space<vmem>>) target_semaphore(%run_scoped3A : memref<!tpu.dma_semaphore, #tpu.memory_space<semaphore_mem>>)
      %dma_wait3A_223 = arith.constant 0 : i32
      %dma_wait3A_224 = tpu.memref_slice %arg3[%mul3A_4, %dma_wait3A_223] : memref<128x128xi32, #tpu.memory_space<hbm>> -> memref<4x128xi32, #tpu.memory_space<hbm>>
      %dma_wait3A_225 = arith.constant 0 : i32
      %dma_wait3A_226 = tpu.memref_slice %arg3[%mul3A_4, %dma_wait3A_225] : memref<128x128xi32, #tpu.memory_space<hbm>> -> memref<4x128xi32, #tpu.memory_space<hbm>>
      tpu.wait_dma2 semaphore(%run_scoped3A : memref<!tpu.dma_semaphore, #tpu.memory_space<semaphore_mem>>) src(%dma_wait3A_226 : memref<4x128xi32, #tpu.memory_space<hbm>>) dst(%arg5 : memref<4x128xi32, #tpu.memory_space<vmem>>)
      tpu.yield
    }) : () -> ()
    %dma_start3A = arith.constant 0 : i32
    %dma_start3A_5 = arith.constant 0 : i32
    %dma_start3A_6 = arith.constant 0 : i32
    %dma_start3A_7 = arith.constant 0 : i32
    %dma_start3A_8 = tpu.memref_slice %arg6[%dma_start3A_5, %dma_start3A_6, %dma_start3A_7] : memref<3x128x256xf32, #tpu.memory_space<vmem>> -> memref<1x128x256xf32, #tpu.memory_space<vmem>>
    %dma_start3A_9 = tpu.memref_squeeze %dma_start3A_8 : memref<1x128x256xf32, #tpu.memory_space<vmem>> -> memref<128x256xf32, #tpu.memory_space<vmem>>
    %dma_start3A_10 = arith.constant 0 : i32
    %dma_start3A_11 = tpu.memref_slice %arg5[%dma_start3A, %dma_start3A_10] : memref<4x128xi32, #tpu.memory_space<vmem>> -> memref<1x128xi32, #tpu.memory_space<vmem>>
    %dma_start3A_12 = tpu.memref_squeeze %dma_start3A_11 : memref<1x128xi32, #tpu.memory_space<vmem>> -> memref<128xi32, #tpu.memory_space<vmem>>
    %dma_start3A_13 = arith.constant 0 : i32
    %dma_start3A_14 = arith.constant 0 : i32
    %dma_start3A_15 = tpu.memref_slice %arg2[%dma_start3A_13, %dma_start3A_14] : memref<1024x256xf32, #tpu.memory_space<hbm>> -> memref<1024x256xf32, #tpu.memory_space<hbm>>
    tpu.enqueue_indirect_dma source(%dma_start3A_15 : memref<1024x256xf32, #tpu.memory_space<hbm>>) target(%dma_start3A_9 : memref<128x256xf32, #tpu.memory_space<vmem>>) offsets(%dma_start3A_12 : memref<128xi32, #tpu.memory_space<vmem>>) semaphore(%arg7 : memref<!tpu.dma_semaphore, #tpu.memory_space<semaphore_mem>>)
    %dma_start3A_16 = arith.constant 1 : i32
    %dma_start3A_17 = arith.constant 1 : i32
    %dma_start3A_18 = arith.constant 0 : i32
    %dma_start3A_19 = arith.constant 0 : i32
    %dma_start3A_20 = tpu.memref_slice %arg6[%dma_start3A_17, %dma_start3A_18, %dma_start3A_19] : memref<3x128x256xf32, #tpu.memory_space<vmem>> -> memref<1x128x256xf32, #tpu.memory_space<vmem>>
    %dma_start3A_21 = tpu.memref_squeeze %dma_start3A_20 : memref<1x128x256xf32, #tpu.memory_space<vmem>> -> memref<128x256xf32, #tpu.memory_space<vmem>>
    %dma_start3A_22 = arith.constant 0 : i32
    %dma_start3A_23 = tpu.memref_slice %arg5[%dma_start3A_16, %dma_start3A_22] : memref<4x128xi32, #tpu.memory_space<vmem>> -> memref<1x128xi32, #tpu.memory_space<vmem>>
    %dma_start3A_24 = tpu.memref_squeeze %dma_start3A_23 : memref<1x128xi32, #tpu.memory_space<vmem>> -> memref<128xi32, #tpu.memory_space<vmem>>
    %dma_start3A_25 = arith.constant 0 : i32
    %dma_start3A_26 = arith.constant 0 : i32
    %dma_start3A_27 = tpu.memref_slice %arg2[%dma_start3A_25, %dma_start3A_26] : memref<1024x256xf32, #tpu.memory_space<hbm>> -> memref<1024x256xf32, #tpu.memory_space<hbm>>
    tpu.enqueue_indirect_dma source(%dma_start3A_27 : memref<1024x256xf32, #tpu.memory_space<hbm>>) target(%dma_start3A_21 : memref<128x256xf32, #tpu.memory_space<vmem>>) offsets(%dma_start3A_24 : memref<128xi32, #tpu.memory_space<vmem>>) semaphore(%arg7 : memref<!tpu.dma_semaphore, #tpu.memory_space<semaphore_mem>>)
    %dma_wait3A = arith.constant 0 : i32
    %dma_wait3A_28 = arith.constant 0 : i32
    %dma_wait3A_29 = arith.constant 0 : i32
    %dma_wait3A_30 = arith.constant 0 : i32
    %dma_wait3A_31 = tpu.memref_slice %arg6[%dma_wait3A_28, %dma_wait3A_29, %dma_wait3A_30] : memref<3x128x256xf32, #tpu.memory_space<vmem>> -> memref<1x128x256xf32, #tpu.memory_space<vmem>>
    %dma_wait3A_32 = tpu.memref_squeeze %dma_wait3A_31 : memref<1x128x256xf32, #tpu.memory_space<vmem>> -> memref<128x256xf32, #tpu.memory_space<vmem>>
    %dma_wait3A_33 = arith.constant 0 : i32
    %dma_wait3A_34 = tpu.memref_slice %arg5[%dma_wait3A, %dma_wait3A_33] : memref<4x128xi32, #tpu.memory_space<vmem>> -> memref<1x128xi32, #tpu.memory_space<vmem>>
    %dma_wait3A_35 = tpu.memref_squeeze %dma_wait3A_34 : memref<1x128xi32, #tpu.memory_space<vmem>> -> memref<128xi32, #tpu.memory_space<vmem>>
    %dma_wait3A_36 = arith.constant 0 : i32
    %dma_wait3A_37 = arith.constant 0 : i32
    %dma_wait3A_38 = tpu.memref_slice %arg2[%dma_wait3A_36, %dma_wait3A_37] : memref<1024x256xf32, #tpu.memory_space<hbm>> -> memref<1024x256xf32, #tpu.memory_space<hbm>>
    tpu.wait_indirect_dma semaphore(%arg7 : memref<!tpu.dma_semaphore, #tpu.memory_space<semaphore_mem>>) src(%dma_wait3A_38 : memref<1024x256xf32, #tpu.memory_space<hbm>>) dst(%dma_wait3A_32 : memref<128x256xf32, #tpu.memory_space<vmem>>)
    %add3A_39 = arith.constant 0 : i32
    %add3A_40 = arith.addi %mul3A_2, %add3A_39 : i32
    %dma_start3A_41 = arith.constant 0 : i32
    %dma_start3A_42 = arith.constant 0 : i32
    %dma_start3A_43 = arith.constant 0 : i32
    %dma_start3A_44 = tpu.memref_slice %arg6[%dma_start3A_41, %dma_start3A_42, %dma_start3A_43] : memref<3x128x256xf32, #tpu.memory_space<vmem>> -> memref<1x128x256xf32, #tpu.memory_space<vmem>>
    %dma_start3A_45 = tpu.memref_squeeze %dma_start3A_44 : memref<1x128x256xf32, #tpu.memory_space<vmem>> -> memref<128x256xf32, #tpu.memory_space<vmem>>
    %dma_start3A_46 = arith.constant 0 : i32
    %dma_start3A_47 = tpu.memref_slice %arg4[%add3A_40, %dma_start3A_46] : memref<16384x256xf32, #tpu.memory_space<hbm>> -> memref<128x256xf32, #tpu.memory_space<hbm>>
    %dma_start3A_48 = arith.constant 0 : i32
    %dma_start3A_49 = tpu.memref_slice %arg4[%add3A_40, %dma_start3A_48] : memref<16384x256xf32, #tpu.memory_space<hbm>> -> memref<128x256xf32, #tpu.memory_space<hbm>>
    %dma_start3A_50 = arith.constant 0 : i32
    %dma_start3A_51 = arith.constant 0 : i32
    %dma_start3A_52 = tpu.memref_slice %arg6[%dma_start3A_41, %dma_start3A_50, %dma_start3A_51] : memref<3x128x256xf32, #tpu.memory_space<vmem>> -> memref<1x128x256xf32, #tpu.memory_space<vmem>>
    %dma_start3A_53 = tpu.memref_squeeze %dma_start3A_52 : memref<1x128x256xf32, #tpu.memory_space<vmem>> -> memref<128x256xf32, #tpu.memory_space<vmem>>
    tpu.enqueue_dma source(%dma_start3A_53 : memref<128x256xf32, #tpu.memory_space<vmem>>) target(%dma_start3A_49 : memref<128x256xf32, #tpu.memory_space<hbm>>) target_semaphore(%arg8 : memref<!tpu.dma_semaphore, #tpu.memory_space<semaphore_mem>>)
    %dma_start3A_54 = arith.constant 2 : i32
    %dma_start3A_55 = arith.constant 2 : i32
    %dma_start3A_56 = arith.constant 0 : i32
    %dma_start3A_57 = arith.constant 0 : i32
    %dma_start3A_58 = tpu.memref_slice %arg6[%dma_start3A_55, %dma_start3A_56, %dma_start3A_57] : memref<3x128x256xf32, #tpu.memory_space<vmem>> -> memref<1x128x256xf32, #tpu.memory_space<vmem>>
    %dma_start3A_59 = tpu.memref_squeeze %dma_start3A_58 : memref<1x128x256xf32, #tpu.memory_space<vmem>> -> memref<128x256xf32, #tpu.memory_space<vmem>>
    %dma_start3A_60 = arith.constant 0 : i32
    %dma_start3A_61 = tpu.memref_slice %arg5[%dma_start3A_54, %dma_start3A_60] : memref<4x128xi32, #tpu.memory_space<vmem>> -> memref<1x128xi32, #tpu.memory_space<vmem>>
    %dma_start3A_62 = tpu.memref_squeeze %dma_start3A_61 : memref<1x128xi32, #tpu.memory_space<vmem>> -> memref<128xi32, #tpu.memory_space<vmem>>
    %dma_start3A_63 = arith.constant 0 : i32
    %dma_start3A_64 = arith.constant 0 : i32
    %dma_start3A_65 = tpu.memref_slice %arg2[%dma_start3A_63, %dma_start3A_64] : memref<1024x256xf32, #tpu.memory_space<hbm>> -> memref<1024x256xf32, #tpu.memory_space<hbm>>
    tpu.enqueue_indirect_dma source(%dma_start3A_65 : memref<1024x256xf32, #tpu.memory_space<hbm>>) target(%dma_start3A_59 : memref<128x256xf32, #tpu.memory_space<vmem>>) offsets(%dma_start3A_62 : memref<128xi32, #tpu.memory_space<vmem>>) semaphore(%arg7 : memref<!tpu.dma_semaphore, #tpu.memory_space<semaphore_mem>>)
    %dma_wait3A_66 = arith.constant 1 : i32
    %dma_wait3A_67 = arith.constant 1 : i32
    %dma_wait3A_68 = arith.constant 0 : i32
    %dma_wait3A_69 = arith.constant 0 : i32
    %dma_wait3A_70 = tpu.memref_slice %arg6[%dma_wait3A_67, %dma_wait3A_68, %dma_wait3A_69] : memref<3x128x256xf32, #tpu.memory_space<vmem>> -> memref<1x128x256xf32, #tpu.memory_space<vmem>>
    %dma_wait3A_71 = tpu.memref_squeeze %dma_wait3A_70 : memref<1x128x256xf32, #tpu.memory_space<vmem>> -> memref<128x256xf32, #tpu.memory_space<vmem>>
    %dma_wait3A_72 = arith.constant 0 : i32
    %dma_wait3A_73 = tpu.memref_slice %arg5[%dma_wait3A_66, %dma_wait3A_72] : memref<4x128xi32, #tpu.memory_space<vmem>> -> memref<1x128xi32, #tpu.memory_space<vmem>>
    %dma_wait3A_74 = tpu.memref_squeeze %dma_wait3A_73 : memref<1x128xi32, #tpu.memory_space<vmem>> -> memref<128xi32, #tpu.memory_space<vmem>>
    %dma_wait3A_75 = arith.constant 0 : i32
    %dma_wait3A_76 = arith.constant 0 : i32
    %dma_wait3A_77 = tpu.memref_slice %arg2[%dma_wait3A_75, %dma_wait3A_76] : memref<1024x256xf32, #tpu.memory_space<hbm>> -> memref<1024x256xf32, #tpu.memory_space<hbm>>
    tpu.wait_indirect_dma semaphore(%arg7 : memref<!tpu.dma_semaphore, #tpu.memory_space<semaphore_mem>>) src(%dma_wait3A_77 : memref<1024x256xf32, #tpu.memory_space<hbm>>) dst(%dma_wait3A_71 : memref<128x256xf32, #tpu.memory_space<vmem>>)
    %add3A_78 = arith.constant 128 : i32
    %add3A_79 = arith.addi %mul3A_2, %add3A_78 : i32
    %dma_start3A_80 = arith.constant 1 : i32
    %dma_start3A_81 = arith.constant 0 : i32
    %dma_start3A_82 = arith.constant 0 : i32
    %dma_start3A_83 = tpu.memref_slice %arg6[%dma_start3A_80, %dma_start3A_81, %dma_start3A_82] : memref<3x128x256xf32, #tpu.memory_space<vmem>> -> memref<1x128x256xf32, #tpu.memory_space<vmem>>
    %dma_start3A_84 = tpu.memref_squeeze %dma_start3A_83 : memref<1x128x256xf32, #tpu.memory_space<vmem>> -> memref<128x256xf32, #tpu.memory_space<vmem>>
    %dma_start3A_85 = arith.constant 0 : i32
    %dma_start3A_86 = tpu.memref_slice %arg4[%add3A_79, %dma_start3A_85] : memref<16384x256xf32, #tpu.memory_space<hbm>> -> memref<128x256xf32, #tpu.memory_space<hbm>>
    %dma_start3A_87 = arith.constant 0 : i32
    %dma_start3A_88 = tpu.memref_slice %arg4[%add3A_79, %dma_start3A_87] : memref<16384x256xf32, #tpu.memory_space<hbm>> -> memref<128x256xf32, #tpu.memory_space<hbm>>
    %dma_start3A_89 = arith.constant 0 : i32
    %dma_start3A_90 = arith.constant 0 : i32
    %dma_start3A_91 = tpu.memref_slice %arg6[%dma_start3A_80, %dma_start3A_89, %dma_start3A_90] : memref<3x128x256xf32, #tpu.memory_space<vmem>> -> memref<1x128x256xf32, #tpu.memory_space<vmem>>
    %dma_start3A_92 = tpu.memref_squeeze %dma_start3A_91 : memref<1x128x256xf32, #tpu.memory_space<vmem>> -> memref<128x256xf32, #tpu.memory_space<vmem>>
    tpu.enqueue_dma source(%dma_start3A_92 : memref<128x256xf32, #tpu.memory_space<vmem>>) target(%dma_start3A_88 : memref<128x256xf32, #tpu.memory_space<hbm>>) target_semaphore(%arg8 : memref<!tpu.dma_semaphore, #tpu.memory_space<semaphore_mem>>)
    %add3A_93 = arith.constant 0 : i32
    %add3A_94 = arith.addi %mul3A_2, %add3A_93 : i32
    %dma_wait3A_95 = arith.constant 0 : i32
    %dma_wait3A_96 = arith.constant 0 : i32
    %dma_wait3A_97 = arith.constant 0 : i32
    %dma_wait3A_98 = tpu.memref_slice %arg6[%dma_wait3A_95, %dma_wait3A_96, %dma_wait3A_97] : memref<3x128x256xf32, #tpu.memory_space<vmem>> -> memref<1x128x256xf32, #tpu.memory_space<vmem>>
    %dma_wait3A_99 = tpu.memref_squeeze %dma_wait3A_98 : memref<1x128x256xf32, #tpu.memory_space<vmem>> -> memref<128x256xf32, #tpu.memory_space<vmem>>
    %dma_wait3A_100 = arith.constant 0 : i32
    %dma_wait3A_101 = tpu.memref_slice %arg4[%add3A_94, %dma_wait3A_100] : memref<16384x256xf32, #tpu.memory_space<hbm>> -> memref<128x256xf32, #tpu.memory_space<hbm>>
    %dma_wait3A_102 = arith.constant 0 : i32
    %dma_wait3A_103 = tpu.memref_slice %arg4[%add3A_94, %dma_wait3A_102] : memref<16384x256xf32, #tpu.memory_space<hbm>> -> memref<128x256xf32, #tpu.memory_space<hbm>>
    %dma_wait3A_104 = arith.constant 0 : i32
    %dma_wait3A_105 = arith.constant 0 : i32
    %dma_wait3A_106 = tpu.memref_slice %arg6[%dma_wait3A_95, %dma_wait3A_104, %dma_wait3A_105] : memref<3x128x256xf32, #tpu.memory_space<vmem>> -> memref<1x128x256xf32, #tpu.memory_space<vmem>>
    %dma_wait3A_107 = tpu.memref_squeeze %dma_wait3A_106 : memref<1x128x256xf32, #tpu.memory_space<vmem>> -> memref<128x256xf32, #tpu.memory_space<vmem>>
    tpu.wait_dma2 semaphore(%arg8 : memref<!tpu.dma_semaphore, #tpu.memory_space<semaphore_mem>>) src(%dma_wait3A_107 : memref<128x256xf32, #tpu.memory_space<vmem>>) dst(%dma_wait3A_103 : memref<128x256xf32, #tpu.memory_space<hbm>>)
    %dma_start3A_108 = arith.constant 3 : i32
    %dma_start3A_109 = arith.constant 0 : i32
    %dma_start3A_110 = arith.constant 0 : i32
    %dma_start3A_111 = arith.constant 0 : i32
    %dma_start3A_112 = tpu.memref_slice %arg6[%dma_start3A_109, %dma_start3A_110, %dma_start3A_111] : memref<3x128x256xf32, #tpu.memory_space<vmem>> -> memref<1x128x256xf32, #tpu.memory_space<vmem>>
    %dma_start3A_113 = tpu.memref_squeeze %dma_start3A_112 : memref<1x128x256xf32, #tpu.memory_space<vmem>> -> memref<128x256xf32, #tpu.memory_space<vmem>>
    %dma_start3A_114 = arith.constant 0 : i32
    %dma_start3A_115 = tpu.memref_slice %arg5[%dma_start3A_108, %dma_start3A_114] : memref<4x128xi32, #tpu.memory_space<vmem>> -> memref<1x128xi32, #tpu.memory_space<vmem>>
    %dma_start3A_116 = tpu.memref_squeeze %dma_start3A_115 : memref<1x128xi32, #tpu.memory_space<vmem>> -> memref<128xi32, #tpu.memory_space<vmem>>
    %dma_start3A_117 = arith.constant 0 : i32
    %dma_start3A_118 = arith.constant 0 : i32
    %dma_start3A_119 = tpu.memref_slice %arg2[%dma_start3A_117, %dma_start3A_118] : memref<1024x256xf32, #tpu.memory_space<hbm>> -> memref<1024x256xf32, #tpu.memory_space<hbm>>
    tpu.enqueue_indirect_dma source(%dma_start3A_119 : memref<1024x256xf32, #tpu.memory_space<hbm>>) target(%dma_start3A_113 : memref<128x256xf32, #tpu.memory_space<vmem>>) offsets(%dma_start3A_116 : memref<128xi32, #tpu.memory_space<vmem>>) semaphore(%arg7 : memref<!tpu.dma_semaphore, #tpu.memory_space<semaphore_mem>>)
    %dma_wait3A_120 = arith.constant 2 : i32
    %dma_wait3A_121 = arith.constant 2 : i32
    %dma_wait3A_122 = arith.constant 0 : i32
    %dma_wait3A_123 = arith.constant 0 : i32
    %dma_wait3A_124 = tpu.memref_slice %arg6[%dma_wait3A_121, %dma_wait3A_122, %dma_wait3A_123] : memref<3x128x256xf32, #tpu.memory_space<vmem>> -> memref<1x128x256xf32, #tpu.memory_space<vmem>>
    %dma_wait3A_125 = tpu.memref_squeeze %dma_wait3A_124 : memref<1x128x256xf32, #tpu.memory_space<vmem>> -> memref<128x256xf32, #tpu.memory_space<vmem>>
    %dma_wait3A_126 = arith.constant 0 : i32
    %dma_wait3A_127 = tpu.memref_slice %arg5[%dma_wait3A_120, %dma_wait3A_126] : memref<4x128xi32, #tpu.memory_space<vmem>> -> memref<1x128xi32, #tpu.memory_space<vmem>>
    %dma_wait3A_128 = tpu.memref_squeeze %dma_wait3A_127 : memref<1x128xi32, #tpu.memory_space<vmem>> -> memref<128xi32, #tpu.memory_space<vmem>>
    %dma_wait3A_129 = arith.constant 0 : i32
    %dma_wait3A_130 = arith.constant 0 : i32
    %dma_wait3A_131 = tpu.memref_slice %arg2[%dma_wait3A_129, %dma_wait3A_130] : memref<1024x256xf32, #tpu.memory_space<hbm>> -> memref<1024x256xf32, #tpu.memory_space<hbm>>
    tpu.wait_indirect_dma semaphore(%arg7 : memref<!tpu.dma_semaphore, #tpu.memory_space<semaphore_mem>>) src(%dma_wait3A_131 : memref<1024x256xf32, #tpu.memory_space<hbm>>) dst(%dma_wait3A_125 : memref<128x256xf32, #tpu.memory_space<vmem>>)
    %add3A_132 = arith.constant 256 : i32
    %add3A_133 = arith.addi %mul3A_2, %add3A_132 : i32
    %dma_start3A_134 = arith.constant 2 : i32
    %dma_start3A_135 = arith.constant 0 : i32
    %dma_start3A_136 = arith.constant 0 : i32
    %dma_start3A_137 = tpu.memref_slice %arg6[%dma_start3A_134, %dma_start3A_135, %dma_start3A_136] : memref<3x128x256xf32, #tpu.memory_space<vmem>> -> memref<1x128x256xf32, #tpu.memory_space<vmem>>
    %dma_start3A_138 = tpu.memref_squeeze %dma_start3A_137 : memref<1x128x256xf32, #tpu.memory_space<vmem>> -> memref<128x256xf32, #tpu.memory_space<vmem>>
    %dma_start3A_139 = arith.constant 0 : i32
    %dma_start3A_140 = tpu.memref_slice %arg4[%add3A_133, %dma_start3A_139] : memref<16384x256xf32, #tpu.memory_space<hbm>> -> memref<128x256xf32, #tpu.memory_space<hbm>>
    %dma_start3A_141 = arith.constant 0 : i32
    %dma_start3A_142 = tpu.memref_slice %arg4[%add3A_133, %dma_start3A_141] : memref<16384x256xf32, #tpu.memory_space<hbm>> -> memref<128x256xf32, #tpu.memory_space<hbm>>
    %dma_start3A_143 = arith.constant 0 : i32
    %dma_start3A_144 = arith.constant 0 : i32
    %dma_start3A_145 = tpu.memref_slice %arg6[%dma_start3A_134, %dma_start3A_143, %dma_start3A_144] : memref<3x128x256xf32, #tpu.memory_space<vmem>> -> memref<1x128x256xf32, #tpu.memory_space<vmem>>
    %dma_start3A_146 = tpu.memref_squeeze %dma_start3A_145 : memref<1x128x256xf32, #tpu.memory_space<vmem>> -> memref<128x256xf32, #tpu.memory_space<vmem>>
    tpu.enqueue_dma source(%dma_start3A_146 : memref<128x256xf32, #tpu.memory_space<vmem>>) target(%dma_start3A_142 : memref<128x256xf32, #tpu.memory_space<hbm>>) target_semaphore(%arg8 : memref<!tpu.dma_semaphore, #tpu.memory_space<semaphore_mem>>)
    %add3A_147 = arith.constant 128 : i32
    %add3A_148 = arith.addi %mul3A_2, %add3A_147 : i32
    %dma_wait3A_149 = arith.constant 1 : i32
    %dma_wait3A_150 = arith.constant 0 : i32
    %dma_wait3A_151 = arith.constant 0 : i32
    %dma_wait3A_152 = tpu.memref_slice %arg6[%dma_wait3A_149, %dma_wait3A_150, %dma_wait3A_151] : memref<3x128x256xf32, #tpu.memory_space<vmem>> -> memref<1x128x256xf32, #tpu.memory_space<vmem>>
    %dma_wait3A_153 = tpu.memref_squeeze %dma_wait3A_152 : memref<1x128x256xf32, #tpu.memory_space<vmem>> -> memref<128x256xf32, #tpu.memory_space<vmem>>
    %dma_wait3A_154 = arith.constant 0 : i32
    %dma_wait3A_155 = tpu.memref_slice %arg4[%add3A_148, %dma_wait3A_154] : memref<16384x256xf32, #tpu.memory_space<hbm>> -> memref<128x256xf32, #tpu.memory_space<hbm>>
    %dma_wait3A_156 = arith.constant 0 : i32
    %dma_wait3A_157 = tpu.memref_slice %arg4[%add3A_148, %dma_wait3A_156] : memref<16384x256xf32, #tpu.memory_space<hbm>> -> memref<128x256xf32, #tpu.memory_space<hbm>>
    %dma_wait3A_158 = arith.constant 0 : i32
    %dma_wait3A_159 = arith.constant 0 : i32
    %dma_wait3A_160 = tpu.memref_slice %arg6[%dma_wait3A_149, %dma_wait3A_158, %dma_wait3A_159] : memref<3x128x256xf32, #tpu.memory_space<vmem>> -> memref<1x128x256xf32, #tpu.memory_space<vmem>>
    %dma_wait3A_161 = tpu.memref_squeeze %dma_wait3A_160 : memref<1x128x256xf32, #tpu.memory_space<vmem>> -> memref<128x256xf32, #tpu.memory_space<vmem>>
    tpu.wait_dma2 semaphore(%arg8 : memref<!tpu.dma_semaphore, #tpu.memory_space<semaphore_mem>>) src(%dma_wait3A_161 : memref<128x256xf32, #tpu.memory_space<vmem>>) dst(%dma_wait3A_157 : memref<128x256xf32, #tpu.memory_space<hbm>>)
    %dma_wait3A_162 = arith.constant 3 : i32
    %dma_wait3A_163 = arith.constant 0 : i32
    %dma_wait3A_164 = arith.constant 0 : i32
    %dma_wait3A_165 = arith.constant 0 : i32
    %dma_wait3A_166 = tpu.memref_slice %arg6[%dma_wait3A_163, %dma_wait3A_164, %dma_wait3A_165] : memref<3x128x256xf32, #tpu.memory_space<vmem>> -> memref<1x128x256xf32, #tpu.memory_space<vmem>>
    %dma_wait3A_167 = tpu.memref_squeeze %dma_wait3A_166 : memref<1x128x256xf32, #tpu.memory_space<vmem>> -> memref<128x256xf32, #tpu.memory_space<vmem>>
    %dma_wait3A_168 = arith.constant 0 : i32
    %dma_wait3A_169 = tpu.memref_slice %arg5[%dma_wait3A_162, %dma_wait3A_168] : memref<4x128xi32, #tpu.memory_space<vmem>> -> memref<1x128xi32, #tpu.memory_space<vmem>>
    %dma_wait3A_170 = tpu.memref_squeeze %dma_wait3A_169 : memref<1x128xi32, #tpu.memory_space<vmem>> -> memref<128xi32, #tpu.memory_space<vmem>>
    %dma_wait3A_171 = arith.constant 0 : i32
    %dma_wait3A_172 = arith.constant 0 : i32
    %dma_wait3A_173 = tpu.memref_slice %arg2[%dma_wait3A_171, %dma_wait3A_172] : memref<1024x256xf32, #tpu.memory_space<hbm>> -> memref<1024x256xf32, #tpu.memory_space<hbm>>
    tpu.wait_indirect_dma semaphore(%arg7 : memref<!tpu.dma_semaphore, #tpu.memory_space<semaphore_mem>>) src(%dma_wait3A_173 : memref<1024x256xf32, #tpu.memory_space<hbm>>) dst(%dma_wait3A_167 : memref<128x256xf32, #tpu.memory_space<vmem>>)
    %add3A_174 = arith.constant 384 : i32
    %add3A_175 = arith.addi %mul3A_2, %add3A_174 : i32
    %dma_start3A_176 = arith.constant 0 : i32
    %dma_start3A_177 = arith.constant 0 : i32
    %dma_start3A_178 = arith.constant 0 : i32
    %dma_start3A_179 = tpu.memref_slice %arg6[%dma_start3A_176, %dma_start3A_177, %dma_start3A_178] : memref<3x128x256xf32, #tpu.memory_space<vmem>> -> memref<1x128x256xf32, #tpu.memory_space<vmem>>
    %dma_start3A_180 = tpu.memref_squeeze %dma_start3A_179 : memref<1x128x256xf32, #tpu.memory_space<vmem>> -> memref<128x256xf32, #tpu.memory_space<vmem>>
    %dma_start3A_181 = arith.constant 0 : i32
    %dma_start3A_182 = tpu.memref_slice %arg4[%add3A_175, %dma_start3A_181] : memref<16384x256xf32, #tpu.memory_space<hbm>> -> memref<128x256xf32, #tpu.memory_space<hbm>>
    %dma_start3A_183 = arith.constant 0 : i32
    %dma_start3A_184 = tpu.memref_slice %arg4[%add3A_175, %dma_start3A_183] : memref<16384x256xf32, #tpu.memory_space<hbm>> -> memref<128x256xf32, #tpu.memory_space<hbm>>
    %dma_start3A_185 = arith.constant 0 : i32
    %dma_start3A_186 = arith.constant 0 : i32
    %dma_start3A_187 = tpu.memref_slice %arg6[%dma_start3A_176, %dma_start3A_185, %dma_start3A_186] : memref<3x128x256xf32, #tpu.memory_space<vmem>> -> memref<1x128x256xf32, #tpu.memory_space<vmem>>
    %dma_start3A_188 = tpu.memref_squeeze %dma_start3A_187 : memref<1x128x256xf32, #tpu.memory_space<vmem>> -> memref<128x256xf32, #tpu.memory_space<vmem>>
    tpu.enqueue_dma source(%dma_start3A_188 : memref<128x256xf32, #tpu.memory_space<vmem>>) target(%dma_start3A_184 : memref<128x256xf32, #tpu.memory_space<hbm>>) target_semaphore(%arg8 : memref<!tpu.dma_semaphore, #tpu.memory_space<semaphore_mem>>)
    %add3A_189 = arith.constant 256 : i32
    %add3A_190 = arith.addi %mul3A_2, %add3A_189 : i32
    %dma_wait3A_191 = arith.constant 2 : i32
    %dma_wait3A_192 = arith.constant 0 : i32
    %dma_wait3A_193 = arith.constant 0 : i32
    %dma_wait3A_194 = tpu.memref_slice %arg6[%dma_wait3A_191, %dma_wait3A_192, %dma_wait3A_193] : memref<3x128x256xf32, #tpu.memory_space<vmem>> -> memref<1x128x256xf32, #tpu.memory_space<vmem>>
    %dma_wait3A_195 = tpu.memref_squeeze %dma_wait3A_194 : memref<1x128x256xf32, #tpu.memory_space<vmem>> -> memref<128x256xf32, #tpu.memory_space<vmem>>
    %dma_wait3A_196 = arith.constant 0 : i32
    %dma_wait3A_197 = tpu.memref_slice %arg4[%add3A_190, %dma_wait3A_196] : memref<16384x256xf32, #tpu.memory_space<hbm>> -> memref<128x256xf32, #tpu.memory_space<hbm>>
    %dma_wait3A_198 = arith.constant 0 : i32
    %dma_wait3A_199 = tpu.memref_slice %arg4[%add3A_190, %dma_wait3A_198] : memref<16384x256xf32, #tpu.memory_space<hbm>> -> memref<128x256xf32, #tpu.memory_space<hbm>>
    %dma_wait3A_200 = arith.constant 0 : i32
    %dma_wait3A_201 = arith.constant 0 : i32
    %dma_wait3A_202 = tpu.memref_slice %arg6[%dma_wait3A_191, %dma_wait3A_200, %dma_wait3A_201] : memref<3x128x256xf32, #tpu.memory_space<vmem>> -> memref<1x128x256xf32, #tpu.memory_space<vmem>>
    %dma_wait3A_203 = tpu.memref_squeeze %dma_wait3A_202 : memref<1x128x256xf32, #tpu.memory_space<vmem>> -> memref<128x256xf32, #tpu.memory_space<vmem>>
    tpu.wait_dma2 semaphore(%arg8 : memref<!tpu.dma_semaphore, #tpu.memory_space<semaphore_mem>>) src(%dma_wait3A_203 : memref<128x256xf32, #tpu.memory_space<vmem>>) dst(%dma_wait3A_199 : memref<128x256xf32, #tpu.memory_space<hbm>>)
    %add3A_204 = arith.constant 384 : i32
    %add3A_205 = arith.addi %mul3A_2, %add3A_204 : i32
    %dma_wait3A_206 = arith.constant 0 : i32
    %dma_wait3A_207 = arith.constant 0 : i32
    %dma_wait3A_208 = arith.constant 0 : i32
    %dma_wait3A_209 = tpu.memref_slice %arg6[%dma_wait3A_206, %dma_wait3A_207, %dma_wait3A_208] : memref<3x128x256xf32, #tpu.memory_space<vmem>> -> memref<1x128x256xf32, #tpu.memory_space<vmem>>
    %dma_wait3A_210 = tpu.memref_squeeze %dma_wait3A_209 : memref<1x128x256xf32, #tpu.memory_space<vmem>> -> memref<128x256xf32, #tpu.memory_space<vmem>>
    %dma_wait3A_211 = arith.constant 0 : i32
    %dma_wait3A_212 = tpu.memref_slice %arg4[%add3A_205, %dma_wait3A_211] : memref<16384x256xf32, #tpu.memory_space<hbm>> -> memref<128x256xf32, #tpu.memory_space<hbm>>
    %dma_wait3A_213 = arith.constant 0 : i32
    %dma_wait3A_214 = tpu.memref_slice %arg4[%add3A_205, %dma_wait3A_213] : memref<16384x256xf32, #tpu.memory_space<hbm>> -> memref<128x256xf32, #tpu.memory_space<hbm>>
    %dma_wait3A_215 = arith.constant 0 : i32
    %dma_wait3A_216 = arith.constant 0 : i32
    %dma_wait3A_217 = tpu.memref_slice %arg6[%dma_wait3A_206, %dma_wait3A_215, %dma_wait3A_216] : memref<3x128x256xf32, #tpu.memory_space<vmem>> -> memref<1x128x256xf32, #tpu.memory_space<vmem>>
    %dma_wait3A_218 = tpu.memref_squeeze %dma_wait3A_217 : memref<1x128x256xf32, #tpu.memory_space<vmem>> -> memref<128x256xf32, #tpu.memory_space<vmem>>
    tpu.wait_dma2 semaphore(%arg8 : memref<!tpu.dma_semaphore, #tpu.memory_space<semaphore_mem>>) src(%dma_wait3A_218 : memref<128x256xf32, #tpu.memory_space<vmem>>) dst(%dma_wait3A_214 : memref<128x256xf32, #tpu.memory_space<hbm>>)
    return
  }
}

module attributes {stable_mosaic.version = 14 : i64} {
  func.func @_match_kernel(%arg0: i32, %arg1: memref<4x1024x256xf32, #tpu.memory_space<vmem>>, %arg2: memref<1024x256xf32, #tpu.memory_space<vmem>>, %arg3: memref<4x8x128xi32, #tpu.memory_space<vmem>>, %arg4: memref<256x1024xf32, #tpu.memory_space<vmem>>) attributes {dimension_semantics = [#tpu.dimension_semantics<arbitrary>], iteration_bounds = array<i64: 4>, scalar_prefetch = 0 : i64, scratch_operands = 1 : i64, tpu.core_type = #tpu.core_type<tc>, window_params = [{transform_indices = @transform_0, window_bounds = array<i64: 4, 1024, 256>}, {pipeline_mode = #tpu.pipeline_mode<synchronous>, transform_indices = @transform_1, window_bounds = array<i64: 1024, 256>}, {transform_indices = @transform_2, window_bounds = array<i64: 4, 8, 128>}]} {
    %eq3A = arith.constant 0 : i32
    %eq3A_0 = arith.cmpi eq, %arg0, %eq3A : i32
    %convert_element_type3A = arith.extui %eq3A_0 : i1 to i32
    %cond3A = arith.constant 0 : i32
    %cond3A_1 = arith.cmpi ne, %convert_element_type3A, %cond3A : i32
    scf.if %cond3A_1 {
      %get3A_17 = arith.constant 0 : index
      %get3A_18 = arith.constant 0 : index
      %get3A_19 = vector.load %arg2[%get3A_17, %get3A_18] : memref<1024x256xf32, #tpu.memory_space<vmem>>, vector<1024x256xf32>
      %transpose3A = tpu.transpose %get3A_19, [1, 0] : vector<1024x256xf32> -> vector<256x1024xf32>
      %mul3A_20 = arith.mulf %transpose3A, %transpose3A : vector<256x1024xf32>
      %reduce_sum3A_21 = arith.constant dense<0.000000e+00> : vector<1024xf32>
      %reduce_sum3A_22 = vector.multi_reduction <add>, %mul3A_20, %reduce_sum3A_21 [0] : vector<256x1024xf32> to vector<1024xf32>
      %broadcast_in_dim3A_23 = vector.shape_cast %reduce_sum3A_22 : vector<1024xf32> to vector<1x1024xf32>
      %sqrt3A_24 = math.sqrt %broadcast_in_dim3A_23 : vector<1x1024xf32>
      %max3A_25 = arith.constant 9.99999996E-13 : f32
      %max3A_26 = vector.broadcast %max3A_25 : f32 to vector<1x1024xf32>
      %max3A_27 = arith.maximumf %sqrt3A_24, %max3A_26 : vector<1x1024xf32>
      %div3A_28 = vector.broadcast %max3A_27 : vector<1x1024xf32> to vector<256x1024xf32>
      %div3A_29 = arith.divf %transpose3A, %div3A_28 : vector<256x1024xf32>
      %swap3A_30 = arith.constant 0 : index
      %swap3A_31 = arith.constant 0 : index
      %swap3A_32 = vector.load %arg4[%swap3A_30, %swap3A_31] : memref<256x1024xf32, #tpu.memory_space<vmem>>, vector<256x1024xf32>
      tpu.vector_store %arg4[%swap3A_30, %swap3A_31], %div3A_29 {strides = array<i32>} : memref<256x1024xf32, #tpu.memory_space<vmem>>, vector<256x1024xf32>,
    } else {
    }
    %get3A = arith.constant 0 : index
    %get3A_2 = arith.constant 0 : index
    %get3A_3 = arith.constant 0 : index
    %get3A_4 = vector.load %arg1[%get3A, %get3A_2, %get3A_3] : memref<4x1024x256xf32, #tpu.memory_space<vmem>>, vector<4x1024x256xf32>
    %reshape3A = vector.shape_cast %get3A_4 : vector<4x1024x256xf32> to vector<4096x256xf32>
    %mul3A = arith.mulf %reshape3A, %reshape3A : vector<4096x256xf32>
    %reduce_sum3A = arith.constant dense<0.000000e+00> : vector<4096xf32>
    %reduce_sum3A_5 = vector.multi_reduction <add>, %mul3A, %reduce_sum3A [1] : vector<4096x256xf32> to vector<4096xf32>
    %broadcast_in_dim3A = vector.shape_cast %reduce_sum3A_5 : vector<4096xf32> to vector<4096x1xf32>
    %sqrt3A = math.sqrt %broadcast_in_dim3A : vector<4096x1xf32>
    %max3A = arith.constant 9.99999996E-13 : f32
    %max3A_6 = vector.broadcast %max3A : f32 to vector<4096x1xf32>
    %max3A_7 = arith.maximumf %sqrt3A, %max3A_6 : vector<4096x1xf32>
    %div3A = vector.broadcast %max3A_7 : vector<4096x1xf32> to vector<4096x256xf32>
    %div3A_8 = arith.divf %reshape3A, %div3A : vector<4096x256xf32>
    %get3A_9 = arith.constant 0 : index
    %get3A_10 = arith.constant 0 : index
    %get3A_11 = vector.load %arg4[%get3A_9, %get3A_10] : memref<256x1024xf32, #tpu.memory_space<vmem>>, vector<256x1024xf32>
    %dot_general3A = arith.constant dense<0.000000e+00> : vector<4096x1024xf32>
    %dot_general3A_12 = tpu.matmul %div3A_8, %get3A_11, %dot_general3A {dimension_numbers = #tpu.dot_dimension_numbers<[1], [0], [0], [1], [0, 0, 1, 1], [], []>, transpose_lhs_hint = false} : vector<4096x256xf32>, vector<256x1024xf32>, vector<4096x1024xf32> -> vector<4096x1024xf32>
    %argmax3A = tpu.reduce_index %dot_general3A_12 {axis = 1 : i32, kind = #tpu.reduction_kind<arg_max>} : vector<4096x1024xf32> -> vector<4096xi32>
    %reshape3A_13 = vector.shape_cast %argmax3A : vector<4096xi32> to vector<4x8x128xi32>
    %swap3A = arith.constant 0 : index
    %swap3A_14 = arith.constant 0 : index
    %swap3A_15 = arith.constant 0 : index
    %swap3A_16 = vector.load %arg3[%swap3A, %swap3A_14, %swap3A_15] : memref<4x8x128xi32, #tpu.memory_space<vmem>>, vector<4x8x128xi32>
    tpu.vector_store %arg3[%swap3A, %swap3A_14, %swap3A_15], %reshape3A_13 {strides = array<i32>} : memref<4x8x128xi32, #tpu.memory_space<vmem>>, vector<4x8x128xi32>,
    return
  }
  func.func @transform_0(%arg0: i32) -> (i32, i32, i32) {
    %c0_i32 = arith.constant 0 : i32
    %c0_i32_0 = arith.constant 0 : i32
    %c0_i32_1 = arith.constant 0 : i32
    return %arg0, %c0_i32, %c0_i32_0 : i32, i32, i32
  }
  func.func @transform_1(%arg0: i32) -> (i32, i32) {
    %c0_i32 = arith.constant 0 : i32
    %c0_i32_0 = arith.constant 0 : i32
    %c0_i32_1 = arith.constant 0 : i32
    return %c0_i32, %c0_i32_0 : i32, i32
  }
  func.func @transform_2(%arg0: i32) -> (i32, i32, i32) {
    %c0_i32 = arith.constant 0 : i32
    %c0_i32_0 = arith.constant 0 : i32
    %c0_i32_1 = arith.constant 0 : i32
    return %arg0, %c0_i32, %c0_i32_0 : i32, i32, i32
  }
}

</mosaic_0001>

<sc_bundles>
// kernel: kernel.4.cloned.1.call-start
scs
__scs_entry_jumppad:
0x0: {  	(pc) =	sbr.rel $0x88, $3  }
0x1: {  	(tag) =	ssettag $0x0;
	lr =	simm.s32 $0x1  }
0x2: {  	[smem:$0x3F9F] =	sst lr;
	_ =	strace $0xD0000000  }
0x3: {  	_ = 	snop  }
0x4: {  	_ = 	snop  }
0x5: {  	_ = 	snop  }
0x6: {  	_ = 	snop  }
0x7: {  	_ = 	snop  }
__scs_overlays_trampoline_lowered:
0x8: {  	[smem:$0x3FAE] =	sst s0  }
0x9: {  	[smem:$0x3FAF] =	sst s1  }
0xa: {  	[smem:$0x3FB0] =	sst s2  }
0xb: {  	[smem:$0x3FB1] =	sst s3  }
0xc: {  	[smem:$0x3FB2] =	sst s4  }
0xd: {  	[smem:$0x3FB3] =	sst s5  }
0xe: {  	[smem:$0x3FB4] =	sst s6  }
0xf: {  	[smem:$0x3FB5] =	sst s7  }
0x10: {  	[smem:$0x3FB6] =	sst s8  }
0x11: {  	[smem:$0x3FB7] =	sst s9;
	s0 =	simm.s32 @!p0 $0x0  }
0x12: {  	s1 =	sld [smem:$0x3F9D];
	s0 =	simm.s32 @p0 $0x1  }
0x13: {  	[smem:$0x3FB8] =	sst s0;
	s0 =	simm.s32 @!p1 $0x0  }
0x14: {  	s2 =	sld [smem:$0x3F9C];
	s0 =	simm.s32 @p1 $0x1  }
0x15: {  	[smem:$0x3FB9] =	sst s0;
	s0 =	simm.s32 @!p2 $0x0  }
0x16: {  	s3 =	sld [smem:$0x3FDB];
	s0 =	simm.s32 @p2 $0x1  }
0x17: {  	s4 =	simm.s32 $0x1BF5;
	[smem:$0x3FBB] =	sst s0  }
0x18: {  	s0 =	sld [smem:$0x3F9E];
	_ =	swait.ge [sflag:s4], $0x0  }
0x19: {  	s7 =	sld [smem:$0x3F9F]  }
0x1a: {  	s8 =	sadd.s32 $0xFFFFE003, lr  }
0x1b: {  	s9 =	sadd.s32 $0xFFFFFEF7, lr;
	s5 =	simm.s32 $0xFFFFFFFF;
	p2 =	slt.u32 s8, $0xFFFFF086  }
0x1c: {  	p1 =	slt.u32 s9, $0xF7A;
	s5 =	simm.s32 @!p2 $0x0  }
0x1d: {  	s5 =	simm.s32 @p1 $0x1;
	p0 =	seq.s32 s7, s2  }
0x1e: {  	s7 =	smul.u32 @!p0 $0xF7A, s2;
	p2 =	seq.s32 @!p0 s5, $0x0  }
0x1f: {  	s9 =	smul.u32 $0xF7A, s1;
	s8 =	simm.s32 @!p0 $0x1BF5;
	p2 =	por !p2, p0  }
0x20: {  	[sflag:s8] =	ssyncset.s32 @!p0 $0xFFFFF086;
	s6 =	sadd.s32 @!p0 s3, s7;
	s7 =	simm.s32 @!p0 $0x108  }
0x21: {  	s3 =	sadd.s32 s3, s9;
	s6 =	sadd.s32 @!p0 $0x88, s6;
	s7 =	simm.s32 @p2 $0x1082  }
0x22: {  	[simem:s7], [sflag:s8] =	dma.local @!p0 [hbm:s6], $0xF7A  }
0x23: {  	s9 =	sor.u32 $0xD0000000, s2;
	s6 =	simm.s32 $0x108;
	_ =	swait.ge @!p0 [sflag:s8], $0x0  }
0x24: {  	s3 =	sadd.s32 $0x88, s3;
	s6 =	simm.s32 @!p1 $0x1082;
	[sflag:s4] =	ssyncset.s32 $0xFFFFF086  }
0x25: {  	[simem:s6], [sflag:s4] =	dma.local [hbm:s3], $0xF7A  }
0x26: {  	[smem:$0x3F9F] =	sst s1;
	(tag) =	ssettag s2;
	_ =	strace s9  }
0x27: {  	s1 =	sld [smem:$0x3FAF]  }
0x28: {  	s2 =	sld [smem:$0x3FB0]  }
0x29: {  	s4 =	sld [smem:$0x3FB2]  }
0x2a: {  	p0 =	seq.s32 s5, $0x0;
	s5 =	sld [smem:$0x3FB3]  }
0x2b: {  	s6 =	sld [smem:$0x3FB4]  }
0x2c: {  	s7 =	sld [smem:$0x3FB5]  }
0x2d: {  	s3 =	simm.s32 $0x108;
	s8 =	sld [smem:$0x3FB6]  }
0x2e: {  	s3 =	simm.s32 @!p0 $0x1082;
	s9 =	sld [smem:$0x3FB7]  }
0x2f: {  	lr =	sadd.s32 s0, s3;
	s0 =	sld [smem:$0x3FAE]  }
0x30: {  	s3 =	sld [smem:$0x3FB1]  }
0x31: {  	[smem:$0x3FBA] =	sst s10  }
0x32: {  	s10 =	sld [smem:$0x3FB8];
	_ =	sdelay $0x3  }
0x33: {  	p0 =	seq.s32 s10, $0x1;
	s10 =	sld [smem:$0x3FBA];
	_ =	sdelay $0x3  }
0x34: {  	[smem:$0x3FBA] =	sst s10  }
0x35: {  	s10 =	sld [smem:$0x3FB9];
	_ =	sdelay $0x3  }
0x36: {  	p1 =	seq.s32 s10, $0x1;
	s10 =	sld [smem:$0x3FBA];
	_ =	sdelay $0x3  }
0x37: {  	[smem:$0x3FBA] =	sst s10  }
0x38: {  	s10 =	sld [smem:$0x3FBB]  }
0x39: {  	_ = 	snop;
	(pc) =	sbr.ind lr, $3  }
0x3a: {  	_ = 	snop  }
0x3b: {  	_ = 	snop  }
0x3c: {  	p2 =	seq.s32 s10, $0x1;
	s10 =	sld [smem:$0x3FBA]  }
0x3d: {  	_ =	shalt  }
0x3e: {  	_ =	shalt  }
0x3f: {  	_ =	shalt  }
0x40: {  	_ =	shalt  }
0x41: {  	_ =	shalt  }
0x42: {  	_ =	shalt  }
0x43: {  	_ =	shalt  }
0x44: {  	_ =	shalt  }
0x45: {  	_ =	shalt  }
0x46: {  	_ =	shalt  }
0x47: {  	_ =	shalt  }
0x48: {  	_ =	shalt  }
0x49: {  	_ =	shalt  }
0x4a: {  	_ =	shalt  }
0x4b: {  	_ =	shalt  }
0x4c: {  	_ =	shalt  }
0x4d: {  	_ =	shalt  }
0x4e: {  	_ =	shalt  }
0x4f: {  	_ =	shalt  }
0x50: {  	_ =	shalt  }
0x51: {  	_ =	shalt  }
0x52: {  	_ =	shalt  }
0x53: {  	_ =	shalt  }
0x54: {  	_ =	shalt  }
0x55: {  	_ =	shalt  }
0x56: {  	_ =	shalt  }
0x57: {  	_ =	shalt  }
0x58: {  	_ =	shalt  }
0x59: {  	_ =	shalt  }
0x5a: {  	_ =	shalt  }
0x5b: {  	_ =	shalt  }
0x5c: {  	_ =	shalt  }
0x5d: {  	_ =	shalt  }
0x5e: {  	_ =	shalt  }
0x5f: {  	_ =	shalt  }
0x60: {  	_ =	shalt  }
0x61: {  	_ =	shalt  }
0x62: {  	_ =	shalt  }
0x63: {  	_ =	shalt  }
0x64: {  	_ =	shalt  }
0x65: {  	_ =	shalt  }
0x66: {  	_ =	shalt  }
0x67: {  	_ =	shalt  }
0x68: {  	_ =	shalt  }
0x69: {  	_ =	shalt  }
0x6a: {  	_ =	shalt  }
0x6b: {  	_ =	shalt  }
0x6c: {  	_ =	shalt  }
0x6d: {  	_ =	shalt  }
0x6e: {  	_ =	shalt  }
0x6f: {  	_ =	shalt  }
0x70: {  	_ =	shalt  }
0x71: {  	_ =	shalt  }
0x72: {  	_ =	shalt  }
0x73: {  	_ =	shalt  }
0x74: {  	_ =	shalt  }
0x75: {  	_ =	shalt  }
0x76: {  	_ =	shalt  }
0x77: {  	_ =	shalt  }
0x78: {  	_ =	shalt  }
0x79: {  	_ =	shalt  }
0x7a: {  	_ =	shalt  }
0x7b: {  	_ =	shalt  }
0x7c: {  	_ =	shalt  }
0x7d: {  	_ =	shalt  }
0x7e: {  	_ =	shalt  }
0x7f: {  	_ =	shalt  }
0x80: {  	_ =	shalt  }
0x81: {  	_ =	shalt  }
0x82: {  	_ =	shalt  }
0x83: {  	_ =	shalt  }
0x84: {  	_ =	shalt  }
0x85: {  	_ =	shalt  }
0x86: {  	_ =	shalt  }
0x87: {  	_ =	shalt  }
.Lfunc_end0:
.L_simem_size_0:
called_computation_lowered:
.L_overlay_start_0:
0x88: {  	s2 =	sld [smem:$0x3FD9]  }
0x89: {  	s3 =	sld [smem:$0x3FFE];
	_ =	sdelay $0x1  }
0x8a: {  	s1 =	srdreg.scid  }
0x8b: {  	s0 =	sand.u32 $0x1, s1  }
0x8c: {  	s14 =	sshll.u32 s0, $0xA;
	s2 =	sadd.s32 s3, s2  }
0x8d: {  	s2 =	sadd.s32 s2, s14  }
0x8e: {  	[smem:$0x3FC6] =	sst s2  }
0x8f: {  	_ = 	snop  }
0x90: {  	s2 =	sld [smem:$0x3FD0];
	_ =	sdelay $0x2  }
0x91: {  	s4 =	simm.s32 $0xA;
	s5 =	simm.s32 $0x10;
	s15 =	sld [smem:$0x3FC8]  }
0x92: {  	[smem:s5], [sflag:s4] =	dma.local [hbm:s2], $0x1  }
0x93: {  	_ =	swait.eq [sflag:s4], $0x1  }
0x94: {  	[sflag:s4] =	ssyncset.done $0x0  }
0x95: {  	[sflag:s4] =	ssyncadd.s32 $0xFFFFFFFF  }
0x96: {  	s16 =	sld [smem:$0x10];
	(tm) =	ssettm $0x1  }
0x97: {  	s17 =	sld [smem:$0x3FFB];
	_ =	sdelay $0x3  }
0x98: {  	_ =	strace s17  }
0x99: {  	s4 =	sld [smem:$0x3FFC];
	_ =	sdelay $0x3  }
0x9a: {  	_ =	strace s4  }
0x9b: {  	s4 =	sld [smem:$0x3FFD];
	_ =	sdelay $0x3  }
0x9c: {  	_ =	strace s4  }
0x9d: {  	_ =	strace $0x8FFFFFFF  }
0x9e: {  	s18 =	sld [smem:$0x3FDB];
	_ =	sdelay $0x1  }
0x9f: {  	s19 =	simm.s32 $_scs_section_size  }
0xa0: {  	s6 =	simm.s32 $_size__tile_overlayer_lowered;
	s7 =	simm.s32 $_tile_overlayer_lowered  }
0xa1: {  	s22 =	simm.s32 $0x1BFF;
	s21 =	sshll.u32 s7, $0x1;
	s4 =	sadd.s32 s19, s18  }
0xa2: {  	s8 =	simm.s32 $0x0;
	s20 =	sshll.u32 s6, $0x1;
	s6 =	sadd.s32 s21, s4  }
0xa3: {  	[timem:s8], [sflag:s22] =	dma.local [hbm:s6], s20  }
0xa4: {  	_ =	swait.ge [sflag:s22], s20  }
0xa5: {  	s5 =	ssub.s32 $0x0, s20;
	[sflag:s22] =	ssyncset.done $0x0  }
0xa6: {  	[sflag:s22] =	ssyncadd.s32 s5;
	_ =	sdelay $0x1  }
0xa7: {  	s23 =	simm.s32 $0x1B8B  }
0xa8: {  	_ =	swait.ge [sflag:s23], $0x1  }
0xa9: {  	[sflag:s23] =	ssyncset.done $0x0  }
0xaa: {  	s25 =	simm.s32 $0x1B8E;
	s24 =	sld [smem:$0x3FFE];
	[sflag:s23] =	ssyncadd.s32 $0xFFFFFFFF  }
0xab: {  	s26 =	simm.s32 $execute0_lowered;
	[smem:$0x3FD2] =	sst s25  }
0xac: {  	s6 =	sshll.u32 s26, $0x1;
	_ =	strace $0x80000046;
	[dreg:$0x1] =	wrdreg $0xFFFFFFFF  }
0xad: {  	s28 =	simm.s32 $_size_execute0_lowered;
	s4 =	sadd.s32 s4, s6;
	[dreg:$0x0] =	wrdreg $0x0  }
0xae: {  	s6 =	sshll.u32 s28, $0x1;
	[dreg:$0x2] =	wrdreg s4  }
0xaf: {  	[dreg:$0x3] =	wrdreg s6  }
0xb0: {  	[dreg:$0x4] =	wrdreg $0xC0  }
0xb1: {  	_ =	task [dreg:s8], $0x5FFFF  }
0xb2: {  	[dreg:$0x1] =	wrdreg $0xFFFFFFFF  }
0xb3: {  	[dreg:$0x0] =	wrdreg $0x60  }
0xb4: {  	[dreg:$0x2] =	wrdreg s15  }
0xb5: {  	[dreg:$0x3] =	wrdreg s24  }
0xb6: {  	[dreg:$0x4] =	wrdreg s16  }
0xb7: {  	[dreg:$0x5] =	wrdreg $0x9  }
0xb8: {  	_ =	task.clear_ibuf [dreg:s8], $0x6FFFF;
	_ =	strace $0x90000046  }
0xb9: {  	s29 =	simm.s32 $0x9;
	_ =	strace $0x80000048  }
0xba: {  	_ =	swait.ge [sflag:s29], $0x1  }
0xbb: {  	[sflag:s29] =	ssyncadd.s32 $0xFFFFFFFF  }
0xbc: {  	_ =	strace $0x90000048  }
0xbd: {  	_ =	sfence  }
0xbe: {  	s30 =	sld [smem:$0x0];
	_ =	sdelay $0x2  }
0xbf: {  	s31 =	sshll.u32 s1, $0xD;
	s1 =	sshrl.u32 s1, $0x2  }
0xc0: {  	s3 =	sand.u32 $0x4000, s31;
	s1 =	sadd.s32 s1, s30  }
0xc1: {  	s0 =	sor.u32 s3, s0;
	s1 =	sshll.u32 s1, $0x11  }
0xc2: {  	s0 =	sor.u32 s1, s0  }
0xc3: {  	s0 =	sadd.s32 $0x8F2B, s0  }
0xc4: {  	[sflag:s0] =	ssyncadd.remote.s32 $0x1  }
0xc5: {  	_ =	sfence.sel $0xFFFF  }
0xc6: {  	[dreg:$0x0] =	wrdreg $0xFFFFFFFF;
	(pc) =	sbr.abs _section_cstart, $3  }
0xc7: {  	[dreg:$0x1] =	wrdreg $0xFFFFFFFF  }
0xc8: {  	_ =	task.clear_ibuf [dreg:s8], $0x2FFFF;
	_ =	strace $0x9FFFFFFF  }
0xc9: {  	(tm) =	ssettm $0x7FFFFFFF  }
tec
execute0_lowered:
.L_overlay_start_1:
0x0: {  	(tag) =	ssettag $0x1  }
0x1: {  	s1 =	rddreg [dreg:$0x0]  }
0x2: {  	s0 =	rddreg [dreg:$0x1]  }
0x3: {  	s2 =	srdreg.scid;
	s4 =	rddreg [dreg:$0x2];
	s3 =	simm.s32 $0x0  }
0x4: {  	s17 =	stileid.u32;
	s22 =	simm.s32 $0x8A00;
	s23 =	simm.s32 $0x9200  }
0x5: {  	s24 =	simm.s32 $0x9A00;
	s25 =	simm.s32 $0xA200;
	s9 =	simm.s32 $0xC200  }
0x6: {  	s10 =	simm.s32 $0xCA00;
	s11 =	simm.s32 $0xD200;
	[smem:$0x7FF] =	sst s3  }
0x7: {  	s12 =	simm.s32 $0xDA00;
	_ =	strace $0x80000047;
	[dreg:$0x8] =	wrdreg s22  }
0x8: {  	s13 =	simm.s32 $0xE200;
	s14 =	simm.s32 $0xEA00;
	[dreg:$0x9] =	wrdreg s23  }
0x9: {  	s15 =	simm.s32 $0xF200;
	s16 =	simm.s32 $0xFA00;
	[dreg:$0xa] =	wrdreg s24  }
0xa: {  	s28 =	simm.s32 $0x16200;
	s29 =	simm.s32 $0x16A00;
	[dreg:$0xb] =	wrdreg s25  }
0xb: {  	s30 =	simm.s32 $0x17200;
	s31 =	simm.s32 $0x17A00;
	[dreg:$0xf] =	wrdreg s9  }
0xc: {  	s5 =	sand.u32 $0x1, s2;
	s6 =	sshll.u32 s17, $0x7;
	[dreg:$0x10] =	wrdreg s10  }
0xd: {  	s7 =	sshll.u32 s17, $0xF;
	s17 =	simm.s32 $0x10A00;
	[dreg:$0x11] =	wrdreg s11  }
0xe: {  	s2 =	sshll.u32 s5, $0x6;
	s8 =	sshll.u32 s5, $0xE;
	[dreg:$0x12] =	wrdreg s12  }
0xf: {  	s5 =	ssub.s32 $0x2, s5;
	s9 =	simm.s32 $0x1200;
	[dreg:$0x13] =	wrdreg s13  }
0x10: {  	s10 =	simm.s32 $0x1A00;
	s11 =	simm.s32 $0x2200;
	[dreg:$0x14] =	wrdreg s14  }
0x11: {  	s12 =	simm.s32 $0x2A00;
	s13 =	simm.s32 $0x3200;
	[dreg:$0x15] =	wrdreg s15  }
0x12: {  	s14 =	simm.s32 $0x3A00;
	[dreg:$0x16] =	wrdreg s16;
	s15 =	simm.s32 $0x4200  }
0x13: {  	[dreg:$0x17] =	wrdreg s17;
	s16 =	simm.s32 $0x4A00;
	s17 =	simm.s32 $0x5200  }
0x14: {  	s22 =	simm.s32 $0x13200;
	s23 =	simm.s32 $0x13A00;
	s24 =	simm.s32 $0x14200  }
0x15: {  	s25 =	simm.s32 $0x14A00;
	s0 =	sadd.s32 s2, s0;
	[dreg:$0x1c] =	wrdreg s22  }
0x16: {  	s18 =	sor.u32 s8, s7;
	s26 =	sshrl.u32 s5, $0x1;
	[dreg:$0x1d] =	wrdreg s23  }
0x17: {  	s2 =	simm.s32 $0xAA00;
	s7 =	simm.s32 $0xB200;
	[dreg:$0x1e] =	wrdreg s24  }
0x18: {  	s8 =	simm.s32 $0xBA00;
	s22 =	simm.s32 $0x7A00;
	[dreg:$0x1f] =	wrdreg s25  }
0x19: {  	s23 =	simm.s32 $0x8200;
	s24 =	simm.s32 $0x1;
	[dreg:$0xc] =	wrdreg s2  }
0x1a: {  	s25 =	simm.s32 $0x10200;
	s0 =	sadd.s32 s6, s0;
	[dreg:$0xd] =	wrdreg s7  }
0x1b: {  	s4 =	sadd.s32 s4, s18;
	[dreg:$0xe] =	wrdreg s8;
	s18 =	simm.s32 $0x11200  }
0x1c: {  	s5 =	ssub.s32 s5, s26;
	s26 =	simm.s32 $0x15200;
	[dreg:$0x18] =	wrdreg s18  }
0x1d: {  	s6 =	simm.s32 $0x3;
	s0 =	sadd.s32 $0xC00, s0;
	[smem:$0x7FD] =	sst s26  }
0x1e: {  	s7 =	simm.s32 $0x200;
	s19 =	sadd.s32 $0x1000, s4;
	[dreg:$0x4] =	wrdreg s0  }
0x1f: {  	s8 =	simm.s32 $0xA00;
	s20 =	sadd.s32 $0x2000, s4;
	[dreg:$0x5] =	wrdreg s19  }
0x20: {  	s21 =	sadd.s32 $0x3000, s4;
	s5 =	smax.u32 s5, $0x1;
	[dreg:$0x6] =	wrdreg s20  }
0x21: {  	s18 =	simm.s32 $0x5A00;
	[dreg:$0x7] =	wrdreg s21;
	s19 =	simm.s32 $0x11A00  }
0x22: {  	v2 =	vlaneseq.u32;
	s20 =	simm.s32 $0x12200;
	s21 =	simm.s32 $0x12A00;
	[dreg:$0x19] =	wrdreg s19  }
0x23: {  	vm0 =	vmmov $0xffff;
	v1 =	vshrl.u32 v2, $0x3;
	s0 =	simm.s32 $0x2;
	[dreg:$0x1a] =	wrdreg s20;
	s19 =	simm.s32 $0x6200  }
0x24: {  	v0 =	vand.u32 $0x7, v2;
	v2 =	vor.u32 $0x8, v2;
	v1 =	vmul.u32 $0x8, v1;
	[dreg:$0x1b] =	wrdreg s21;
	s20 =	simm.s32 $0x6A00;
	s21 =	simm.s32 $0x7200  }
.LBB2_1:
0x25: {  	s2 =	rddreg [dreg:$0x4]  }
0x26: {  	[tilespmem:s3], [sflag:$0x3] =	stream.linear.gather [hbm4b:s2+s3], $0x200, $0x38;
	[tilespmem:$0x18200] =	vst v63  }
0x27: {  	_ =	swait.ge [sflag:s6], $0x200  }
0x28: {  	[sflag:s6] =	ssyncset.done $0x0  }
0x29: {  	[sflag:s6] =	ssyncadd.s32 $0xFFFFFE00  }
0x2a: {  	v3 =	vld [tilespmem:$0x0];
	_ =	sdelay $0x4  }
0x2b: {  	v4 =	vshll.u32 v3, $0x1  }
0x2c: {  	v3 =	vand.u32 $0x7, v3;
	v4 =	vand.u32 $0xFFFFFFF0, v4  }
0x2d: {  	v3 =	vor.u32 v3, v4  }
0x2e: {  	v4 =	vperm.xlane v3, v0;
	_ =	sdelay $0x1  }
0x2f: {  	v3 =	vperm.xlane v3, v2;
	v4 =	vadd.s32 v1, v4;
	_ =	sdelay $0x1  }
0x30: {  	v3 =	vadd.s32 v1, v3;
	_ =	sdelay $0x2  }
0x31: {  	[tilespmem:s7], [sflag:$0x1] =	stream.indirect_vreg.gather [hbm4b:s1+s3], $0x80, v4, vm0, $0xb8;
	[tilespmem:$0x18200] =	vst v63  }
0x32: {  	_ = 	snop  }
0x33: {  	[tilespmem:s8], [sflag:$0x1] =	stream.indirect_vreg.gather [hbm4b:s1+s3], $0x80, v3, vm0, $0xb8;
	[tilespmem:$0x18200] =	vst v63  }
0x34: {  	v3 =	vld [tilespmem:$0x10];
	_ =	sdelay $0x4  }
0x35: {  	v33 =	vshll.u32 v3, $0x1  }
0x36: {  	v3 =	vand.u32 $0x7, v3;
	v4 =	vand.u32 $0xFFFFFFF0, v33  }
0x37: {  	v3 =	vor.u32 v3, v4  }
0x38: {  	v4 =	vperm.xlane v3, v0;
	_ =	sdelay $0x1  }
0x39: {  	v3 =	vperm.xlane v3, v2;
	v4 =	vadd.s32 v1, v4;
	_ =	sdelay $0x1  }
0x3a: {  	v3 =	vadd.s32 v1, v3;
	_ =	sdelay $0x2  }
0x3b: {  	[tilespmem:s9], [sflag:$0x1] =	stream.indirect_vreg.gather [hbm4b:s1+s3], $0x80, v4, vm0, $0xb8;
	[tilespmem:$0x18200] =	vst v63  }
0x3c: {  	_ = 	snop  }
0x3d: {  	[tilespmem:s10], [sflag:$0x1] =	stream.indirect_vreg.gather [hbm4b:s1+s3], $0x80, v3, vm0, $0xb8;
	[tilespmem:$0x18200] =	vst v63  }
0x3e: {  	v3 =	vld [tilespmem:$0x20];
	_ =	sdelay $0x4  }
0x3f: {  	v34 =	vshll.u32 v3, $0x1  }
0x40: {  	v3 =	vand.u32 $0x7, v3;
	v4 =	vand.u32 $0xFFFFFFF0, v34  }
0x41: {  	v3 =	vor.u32 v3, v4  }
0x42: {  	v4 =	vperm.xlane v3, v0;
	_ =	sdelay $0x1  }
0x43: {  	v3 =	vperm.xlane v3, v2;
	v4 =	vadd.s32 v1, v4;
	_ =	sdelay $0x1  }
0x44: {  	v3 =	vadd.s32 v1, v3;
	_ =	sdelay $0x2  }
0x45: {  	[tilespmem:s11], [sflag:$0x1] =	stream.indirect_vreg.gather [hbm4b:s1+s3], $0x80, v4, vm0, $0xb8;
	[tilespmem:$0x18200] =	vst v63  }
0x46: {  	_ = 	snop  }
0x47: {  	[tilespmem:s12], [sflag:$0x1] =	stream.indirect_vreg.gather [hbm4b:s1+s3], $0x80, v3, vm0, $0xb8;
	[tilespmem:$0x18200] =	vst v63  }
0x48: {  	v3 =	vld [tilespmem:$0x30];
	_ =	sdelay $0x4  }
0x49: {  	v35 =	vshll.u32 v3, $0x1  }
0x4a: {  	v3 =	vand.u32 $0x7, v3;
	v4 =	vand.u32 $0xFFFFFFF0, v35  }
0x4b: {  	v3 =	vor.u32 v3, v4  }
0x4c: {  	v4 =	vperm.xlane v3, v0;
	_ =	sdelay $0x1  }
0x4d: {  	v3 =	vperm.xlane v3, v2;
	v4 =	vadd.s32 v1, v4;
	_ =	sdelay $0x1  }
0x4e: {  	v3 =	vadd.s32 v1, v3;
	_ =	sdelay $0x2  }
0x4f: {  	[tilespmem:s13], [sflag:$0x1] =	stream.indirect_vreg.gather [hbm4b:s1+s3], $0x80, v4, vm0, $0xb8;
	[tilespmem:$0x18200] =	vst v63  }
0x50: {  	_ = 	snop  }
0x51: {  	[tilespmem:s14], [sflag:$0x1] =	stream.indirect_vreg.gather [hbm4b:s1+s3], $0x80, v3, vm0, $0xb8;
	[tilespmem:$0x18200] =	vst v63  }
0x52: {  	v3 =	vld [tilespmem:$0x40];
	_ =	sdelay $0x4  }
0x53: {  	v36 =	vshll.u32 v3, $0x1  }
0x54: {  	v3 =	vand.u32 $0x7, v3;
	v4 =	vand.u32 $0xFFFFFFF0, v36  }
0x55: {  	v3 =	vor.u32 v3, v4  }
0x56: {  	v4 =	vperm.xlane v3, v0;
	_ =	sdelay $0x1  }
0x57: {  	v3 =	vperm.xlane v3, v2;
	v4 =	vadd.s32 v1, v4;
	_ =	sdelay $0x1  }
0x58: {  	v3 =	vadd.s32 v1, v3;
	_ =	sdelay $0x2  }
0x59: {  	[tilespmem:s15], [sflag:$0x1] =	stream.indirect_vreg.gather [hbm4b:s1+s3], $0x80, v4, vm0, $0xb8;
	[tilespmem:$0x18200] =	vst v63  }
0x5a: {  	_ = 	snop  }
0x5b: {  	[tilespmem:s16], [sflag:$0x1] =	stream.indirect_vreg.gather [hbm4b:s1+s3], $0x80, v3, vm0, $0xb8;
	[tilespmem:$0x18200] =	vst v63  }
0x5c: {  	v3 =	vld [tilespmem:$0x50];
	_ =	sdelay $0x4  }
0x5d: {  	v37 =	vshll.u32 v3, $0x1  }
0x5e: {  	v3 =	vand.u32 $0x7, v3;
	v4 =	vand.u32 $0xFFFFFFF0, v37  }
0x5f: {  	v3 =	vor.u32 v3, v4  }
0x60: {  	v4 =	vperm.xlane v3, v0;
	_ =	sdelay $0x1  }
0x61: {  	v3 =	vperm.xlane v3, v2;
	v4 =	vadd.s32 v1, v4;
	_ =	sdelay $0x1  }
0x62: {  	v3 =	vadd.s32 v1, v3;
	_ =	sdelay $0x2  }
0x63: {  	[tilespmem:s17], [sflag:$0x1] =	stream.indirect_vreg.gather [hbm4b:s1+s3], $0x80, v4, vm0, $0xb8;
	[tilespmem:$0x18200] =	vst v63  }
0x64: {  	_ = 	snop  }
0x65: {  	[tilespmem:s18], [sflag:$0x1] =	stream.indirect_vreg.gather [hbm4b:s1+s3], $0x80, v3, vm0, $0xb8;
	[tilespmem:$0x18200] =	vst v63  }
0x66: {  	v3 =	vld [tilespmem:$0x60];
	_ =	sdelay $0x4  }
0x67: {  	v38 =	vshll.u32 v3, $0x1  }
0x68: {  	v3 =	vand.u32 $0x7, v3;
	v4 =	vand.u32 $0xFFFFFFF0, v38  }
0x69: {  	v3 =	vor.u32 v3, v4  }
0x6a: {  	v4 =	vperm.xlane v3, v0;
	_ =	sdelay $0x1  }
0x6b: {  	v3 =	vperm.xlane v3, v2;
	v4 =	vadd.s32 v1, v4;
	_ =	sdelay $0x1  }
0x6c: {  	v3 =	vadd.s32 v1, v3;
	_ =	sdelay $0x2  }
0x6d: {  	[tilespmem:s19], [sflag:$0x1] =	stream.indirect_vreg.gather [hbm4b:s1+s3], $0x80, v4, vm0, $0xb8;
	[tilespmem:$0x18200] =	vst v63  }
0x6e: {  	_ = 	snop  }
0x6f: {  	[tilespmem:s20], [sflag:$0x1] =	stream.indirect_vreg.gather [hbm4b:s1+s3], $0x80, v3, vm0, $0xb8;
	[tilespmem:$0x18200] =	vst v63  }
0x70: {  	v3 =	vld [tilespmem:$0x70];
	_ =	sdelay $0x4  }
0x71: {  	v39 =	vshll.u32 v3, $0x1  }
0x72: {  	v3 =	vand.u32 $0x7, v3;
	v4 =	vand.u32 $0xFFFFFFF0, v39  }
0x73: {  	v3 =	vor.u32 v3, v4  }
0x74: {  	v4 =	vperm.xlane v3, v0;
	_ =	sdelay $0x1  }
0x75: {  	v3 =	vperm.xlane v3, v2;
	v4 =	vadd.s32 v1, v4;
	_ =	sdelay $0x1  }
0x76: {  	v3 =	vadd.s32 v1, v3;
	_ =	sdelay $0x2  }
0x77: {  	[tilespmem:s21], [sflag:$0x1] =	stream.indirect_vreg.gather [hbm4b:s1+s3], $0x80, v4, vm0, $0xb8;
	[tilespmem:$0x18200] =	vst v63  }
0x78: {  	_ = 	snop  }
0x79: {  	[tilespmem:s22], [sflag:$0x1] =	stream.indirect_vreg.gather [hbm4b:s1+s3], $0x80, v3, vm0, $0xb8;
	[tilespmem:$0x18200] =	vst v63  }
0x7a: {  	v3 =	vld [tilespmem:$0x80];
	_ =	sdelay $0x4  }
0x7b: {  	v40 =	vshll.u32 v3, $0x1  }
0x7c: {  	v3 =	vand.u32 $0x7, v3;
	v4 =	vand.u32 $0xFFFFFFF0, v40  }
0x7d: {  	v3 =	vor.u32 v3, v4  }
0x7e: {  	v4 =	vperm.xlane v3, v0;
	_ =	sdelay $0x1  }
0x7f: {  	v3 =	vperm.xlane v3, v2;
	v4 =	vadd.s32 v1, v4;
	_ =	sdelay $0x1  }
0x80: {  	v3 =	vadd.s32 v1, v3;
	_ =	sdelay $0x2  }
0x81: {  	[tilespmem:s23], [sflag:$0x1] =	stream.indirect_vreg.gather [hbm4b:s1+s3], $0x80, v4, vm0, $0xb8;
	[tilespmem:$0x18200] =	vst v63  }
0x82: {  	s26 =	rddreg [dreg:$0x8]  }
0x83: {  	[tilespmem:s26], [sflag:$0x1] =	stream.indirect_vreg.gather [hbm4b:s1+s3], $0x80, v3, vm0, $0xb8;
	[tilespmem:$0x18200] =	vst v63  }
0x84: {  	v3 =	vld [tilespmem:$0x90];
	_ =	sdelay $0x4  }
0x85: {  	v41 =	vshll.u32 v3, $0x1  }
0x86: {  	v3 =	vand.u32 $0x7, v3;
	v4 =	vand.u32 $0xFFFFFFF0, v41  }
0x87: {  	v3 =	vor.u32 v3, v4  }
0x88: {  	v4 =	vperm.xlane v3, v0;
	_ =	sdelay $0x1  }
0x89: {  	v3 =	vperm.xlane v3, v2;
	v4 =	vadd.s32 v1, v4;
	_ =	sdelay $0x1  }
0x8a: {  	v3 =	vadd.s32 v1, v3;
	_ =	sdelay $0x1  }
0x8b: {  	s2 =	rddreg [dreg:$0x9]  }
0x8c: {  	[tilespmem:s2], [sflag:$0x1] =	stream.indirect_vreg.gather [hbm4b:s1+s3], $0x80, v4, vm0, $0xb8;
	[tilespmem:$0x18200] =	vst v63  }
0x8d: {  	s26 =	rddreg [dreg:$0xa]  }
0x8e: {  	[tilespmem:s26], [sflag:$0x1] =	stream.indirect_vreg.gather [hbm4b:s1+s3], $0x80, v3, vm0, $0xb8;
	[tilespmem:$0x18200] =	vst v63  }
0x8f: {  	v3 =	vld [tilespmem:$0xA0];
	_ =	sdelay $0x4  }
0x90: {  	v42 =	vshll.u32 v3, $0x1  }
0x91: {  	v3 =	vand.u32 $0x7, v3;
	v4 =	vand.u32 $0xFFFFFFF0, v42  }
0x92: {  	v3 =	vor.u32 v3, v4  }
0x93: {  	v4 =	vperm.xlane v3, v0;
	_ =	sdelay $0x1  }
0x94: {  	v3 =	vperm.xlane v3, v2;
	v4 =	vadd.s32 v1, v4;
	_ =	sdelay $0x1  }
0x95: {  	v3 =	vadd.s32 v1, v3;
	_ =	sdelay $0x1  }
0x96: {  	s2 =	rddreg [dreg:$0xb]  }
0x97: {  	[tilespmem:s2], [sflag:$0x1] =	stream.indirect_vreg.gather [hbm4b:s1+s3], $0x80, v4, vm0, $0xb8;
	[tilespmem:$0x18200] =	vst v63  }
0x98: {  	s26 =	rddreg [dreg:$0xc]  }
0x99: {  	[tilespmem:s26], [sflag:$0x1] =	stream.indirect_vreg.gather [hbm4b:s1+s3], $0x80, v3, vm0, $0xb8;
	[tilespmem:$0x18200] =	vst v63  }
0x9a: {  	v3 =	vld [tilespmem:$0xB0];
	_ =	sdelay $0x4  }
0x9b: {  	v43 =	vshll.u32 v3, $0x1  }
0x9c: {  	v3 =	vand.u32 $0x7, v3;
	v4 =	vand.u32 $0xFFFFFFF0, v43  }
0x9d: {  	v3 =	vor.u32 v3, v4  }
0x9e: {  	v4 =	vperm.xlane v3, v0;
	_ =	sdelay $0x1  }
0x9f: {  	v3 =	vperm.xlane v3, v2;
	v4 =	vadd.s32 v1, v4;
	_ =	sdelay $0x1  }
0xa0: {  	v3 =	vadd.s32 v1, v3;
	_ =	sdelay $0x1  }
0xa1: {  	s2 =	rddreg [dreg:$0xd]  }
0xa2: {  	[tilespmem:s2], [sflag:$0x1] =	stream.indirect_vreg.gather [hbm4b:s1+s3], $0x80, v4, vm0, $0xb8;
	[tilespmem:$0x18200] =	vst v63  }
0xa3: {  	s26 =	rddreg [dreg:$0xe]  }
0xa4: {  	[tilespmem:s26], [sflag:$0x1] =	stream.indirect_vreg.gather [hbm4b:s1+s3], $0x80, v3, vm0, $0xb8;
	[tilespmem:$0x18200] =	vst v63  }
0xa5: {  	v3 =	vld [tilespmem:$0xC0];
	_ =	sdelay $0x4  }
0xa6: {  	v44 =	vshll.u32 v3, $0x1  }
0xa7: {  	v3 =	vand.u32 $0x7, v3;
	v4 =	vand.u32 $0xFFFFFFF0, v44  }
0xa8: {  	v3 =	vor.u32 v3, v4  }
0xa9: {  	v4 =	vperm.xlane v3, v0;
	_ =	sdelay $0x1  }
0xaa: {  	v3 =	vperm.xlane v3, v2;
	v4 =	vadd.s32 v1, v4;
	_ =	sdelay $0x1  }
0xab: {  	v3 =	vadd.s32 v1, v3;
	_ =	sdelay $0x1  }
0xac: {  	s2 =	rddreg [dreg:$0xf]  }
0xad: {  	[tilespmem:s2], [sflag:$0x1] =	stream.indirect_vreg.gather [hbm4b:s1+s3], $0x80, v4, vm0, $0xb8;
	[tilespmem:$0x18200] =	vst v63  }
0xae: {  	s26 =	rddreg [dreg:$0x10]  }
0xaf: {  	[tilespmem:s26], [sflag:$0x1] =	stream.indirect_vreg.gather [hbm4b:s1+s3], $0x80, v3, vm0, $0xb8;
	[tilespmem:$0x18200] =	vst v63  }
0xb0: {  	v3 =	vld [tilespmem:$0xD0];
	_ =	sdelay $0x4  }
0xb1: {  	v45 =	vshll.u32 v3, $0x1  }
0xb2: {  	v3 =	vand.u32 $0x7, v3;
	v4 =	vand.u32 $0xFFFFFFF0, v45  }
0xb3: {  	v3 =	vor.u32 v3, v4  }
0xb4: {  	v4 =	vperm.xlane v3, v0;
	_ =	sdelay $0x1  }
0xb5: {  	v3 =	vperm.xlane v3, v2;
	v4 =	vadd.s32 v1, v4;
	_ =	sdelay $0x1  }
0xb6: {  	v3 =	vadd.s32 v1, v3;
	_ =	sdelay $0x1  }
0xb7: {  	s2 =	rddreg [dreg:$0x11]  }
0xb8: {  	[tilespmem:s2], [sflag:$0x1] =	stream.indirect_vreg.gather [hbm4b:s1+s3], $0x80, v4, vm0, $0xb8;
	[tilespmem:$0x18200] =	vst v63  }
0xb9: {  	s26 =	rddreg [dreg:$0x12]  }
0xba: {  	[tilespmem:s26], [sflag:$0x1] =	stream.indirect_vreg.gather [hbm4b:s1+s3], $0x80, v3, vm0, $0xb8;
	[tilespmem:$0x18200] =	vst v63  }
0xbb: {  	v3 =	vld [tilespmem:$0xE0];
	_ =	sdelay $0x4  }
0xbc: {  	v46 =	vshll.u32 v3, $0x1  }
0xbd: {  	v3 =	vand.u32 $0x7, v3;
	v4 =	vand.u32 $0xFFFFFFF0, v46  }
0xbe: {  	v3 =	vor.u32 v3, v4  }
0xbf: {  	v4 =	vperm.xlane v3, v0;
	_ =	sdelay $0x1  }
0xc0: {  	v3 =	vperm.xlane v3, v2;
	v4 =	vadd.s32 v1, v4;
	_ =	sdelay $0x1  }
0xc1: {  	v3 =	vadd.s32 v1, v3;
	_ =	sdelay $0x1  }
0xc2: {  	s2 =	rddreg [dreg:$0x13]  }
0xc3: {  	[tilespmem:s2], [sflag:$0x1] =	stream.indirect_vreg.gather [hbm4b:s1+s3], $0x80, v4, vm0, $0xb8;
	[tilespmem:$0x18200] =	vst v63  }
0xc4: {  	s26 =	rddreg [dreg:$0x14]  }
0xc5: {  	[tilespmem:s26], [sflag:$0x1] =	stream.indirect_vreg.gather [hbm4b:s1+s3], $0x80, v3, vm0, $0xb8;
	[tilespmem:$0x18200] =	vst v63  }
0xc6: {  	v3 =	vld [tilespmem:$0xF0];
	_ =	sdelay $0x4  }
0xc7: {  	v47 =	vshll.u32 v3, $0x1  }
0xc8: {  	v3 =	vand.u32 $0x7, v3;
	v4 =	vand.u32 $0xFFFFFFF0, v47  }
0xc9: {  	v3 =	vor.u32 v3, v4  }
0xca: {  	v4 =	vperm.xlane v3, v0;
	_ =	sdelay $0x1  }
0xcb: {  	v3 =	vperm.xlane v3, v2;
	v4 =	vadd.s32 v1, v4;
	_ =	sdelay $0x1  }
0xcc: {  	v3 =	vadd.s32 v1, v3;
	_ =	sdelay $0x1  }
0xcd: {  	s2 =	rddreg [dreg:$0x15]  }
0xce: {  	[tilespmem:s2], [sflag:$0x1] =	stream.indirect_vreg.gather [hbm4b:s1+s3], $0x80, v4, vm0, $0xb8;
	[tilespmem:$0x18200] =	vst v63  }
0xcf: {  	s26 =	rddreg [dreg:$0x16]  }
0xd0: {  	[tilespmem:s26], [sflag:$0x1] =	stream.indirect_vreg.gather [hbm4b:s1+s3], $0x80, v3, vm0, $0xb8;
	[tilespmem:$0x18200] =	vst v63  }
0xd1: {  	_ =	swait.ge [sflag:s24], $0x8000  }
0xd2: {  	[sflag:s24] =	ssyncset.done $0x0  }
0xd3: {  	[sflag:s24] =	ssyncadd.s32 $0xFFFF8000  }
0xd4: {  	[hbm4b:s4+s3] =	stream.linear.scatter [tilespmem:s7], [sflag:$0x2], $0x8000, $0x38;
	[tilespmem:$0x18200] =	vst v63  }
0xd5: {  	v3 =	vld [tilespmem:$0x100];
	_ =	sdelay $0x4  }
0xd6: {  	v48 =	vshll.u32 v3, $0x1  }
0xd7: {  	v3 =	vand.u32 $0x7, v3;
	v4 =	vand.u32 $0xFFFFFFF0, v48  }
0xd8: {  	v3 =	vor.u32 v3, v4  }
0xd9: {  	v4 =	vperm.xlane v3, v0;
	_ =	sdelay $0x1  }
0xda: {  	v3 =	vperm.xlane v3, v2;
	v4 =	vadd.s32 v1, v4;
	_ =	sdelay $0x1  }
0xdb: {  	v3 =	vadd.s32 v1, v3;
	_ =	sdelay $0x2  }
0xdc: {  	[tilespmem:s25], [sflag:$0x1] =	stream.indirect_vreg.gather [hbm4b:s1+s3], $0x80, v4, vm0, $0xb8;
	[tilespmem:$0x18200] =	vst v63  }
0xdd: {  	s26 =	rddreg [dreg:$0x17]  }
0xde: {  	[tilespmem:s26], [sflag:$0x1] =	stream.indirect_vreg.gather [hbm4b:s1+s3], $0x80, v3, vm0, $0xb8;
	[tilespmem:$0x18200] =	vst v63  }
0xdf: {  	v3 =	vld [tilespmem:$0x110];
	_ =	sdelay $0x4  }
0xe0: {  	v49 =	vshll.u32 v3, $0x1  }
0xe1: {  	v3 =	vand.u32 $0x7, v3;
	v4 =	vand.u32 $0xFFFFFFF0, v49  }
0xe2: {  	v3 =	vor.u32 v3, v4  }
0xe3: {  	v4 =	vperm.xlane v3, v0;
	_ =	sdelay $0x1  }
0xe4: {  	v3 =	vperm.xlane v3, v2;
	v4 =	vadd.s32 v1, v4;
	_ =	sdelay $0x1  }
0xe5: {  	v3 =	vadd.s32 v1, v3;
	_ =	sdelay $0x1  }
0xe6: {  	s2 =	rddreg [dreg:$0x18]  }
0xe7: {  	[tilespmem:s2], [sflag:$0x1] =	stream.indirect_vreg.gather [hbm4b:s1+s3], $0x80, v4, vm0, $0xb8;
	[tilespmem:$0x18200] =	vst v63  }
0xe8: {  	s26 =	rddreg [dreg:$0x19]  }
0xe9: {  	[tilespmem:s26], [sflag:$0x1] =	stream.indirect_vreg.gather [hbm4b:s1+s3], $0x80, v3, vm0, $0xb8;
	[tilespmem:$0x18200] =	vst v63  }
0xea: {  	v3 =	vld [tilespmem:$0x120];
	_ =	sdelay $0x4  }
0xeb: {  	v50 =	vshll.u32 v3, $0x1  }
0xec: {  	v3 =	vand.u32 $0x7, v3;
	v4 =	vand.u32 $0xFFFFFFF0, v50  }
0xed: {  	v3 =	vor.u32 v3, v4  }
0xee: {  	v4 =	vperm.xlane v3, v0;
	_ =	sdelay $0x1  }
0xef: {  	v3 =	vperm.xlane v3, v2;
	v4 =	vadd.s32 v1, v4;
	_ =	sdelay $0x1  }
0xf0: {  	v3 =	vadd.s32 v1, v3;
	_ =	sdelay $0x1  }
0xf1: {  	s2 =	rddreg [dreg:$0x1a]  }
0xf2: {  	[tilespmem:s2], [sflag:$0x1] =	stream.indirect_vreg.gather [hbm4b:s1+s3], $0x80, v4, vm0, $0xb8;
	[tilespmem:$0x18200] =	vst v63  }
0xf3: {  	s26 =	rddreg [dreg:$0x1b]  }
0xf4: {  	[tilespmem:s26], [sflag:$0x1] =	stream.indirect_vreg.gather [hbm4b:s1+s3], $0x80, v3, vm0, $0xb8;
	[tilespmem:$0x18200] =	vst v63  }
0xf5: {  	v3 =	vld [tilespmem:$0x130];
	_ =	sdelay $0x4  }
0xf6: {  	v51 =	vshll.u32 v3, $0x1  }
0xf7: {  	v3 =	vand.u32 $0x7, v3;
	v4 =	vand.u32 $0xFFFFFFF0, v51  }
0xf8: {  	v3 =	vor.u32 v3, v4  }
0xf9: {  	v4 =	vperm.xlane v3, v0;
	_ =	sdelay $0x1  }
0xfa: {  	v3 =	vperm.xlane v3, v2;
	v4 =	vadd.s32 v1, v4;
	_ =	sdelay $0x1  }
0xfb: {  	v3 =	vadd.s32 v1, v3;
	_ =	sdelay $0x1  }
0xfc: {  	s2 =	rddreg [dreg:$0x1c]  }
0xfd: {  	[tilespmem:s2], [sflag:$0x1] =	stream.indirect_vreg.gather [hbm4b:s1+s3], $0x80, v4, vm0, $0xb8;
	[tilespmem:$0x18200] =	vst v63  }
0xfe: {  	s26 =	rddreg [dreg:$0x1d]  }
0xff: {  	[tilespmem:s26], [sflag:$0x1] =	stream.indirect_vreg.gather [hbm4b:s1+s3], $0x80, v3, vm0, $0xb8;
	[tilespmem:$0x18200] =	vst v63  }
0x100: {  	v3 =	vld [tilespmem:$0x140];
	_ =	sdelay $0x4  }
0x101: {  	v52 =	vshll.u32 v3, $0x1  }
0x102: {  	v3 =	vand.u32 $0x7, v3;
	v4 =	vand.u32 $0xFFFFFFF0, v52  }
0x103: {  	v3 =	vor.u32 v3, v4  }
0x104: {  	v4 =	vperm.xlane v3, v0;
	_ =	sdelay $0x1  }
0x105: {  	v3 =	vperm.xlane v3, v2;
	v4 =	vadd.s32 v1, v4;
	_ =	sdelay $0x1  }
0x106: {  	v3 =	vadd.s32 v1, v3;
	_ =	sdelay $0x1  }
0x107: {  	s2 =	rddreg [dreg:$0x1e]  }
0x108: {  	[tilespmem:s2], [sflag:$0x1] =	stream.indirect_vreg.gather [hbm4b:s1+s3], $0x80, v4, vm0, $0xb8;
	[tilespmem:$0x18200] =	vst v63  }
0x109: {  	s26 =	rddreg [dreg:$0x1f]  }
0x10a: {  	[tilespmem:s26], [sflag:$0x1] =	stream.indirect_vreg.gather [hbm4b:s1+s3], $0x80, v3, vm0, $0xb8;
	[tilespmem:$0x18200] =	vst v63  }
0x10b: {  	v3 =	vld [tilespmem:$0x150];
	_ =	sdelay $0x4  }
0x10c: {  	v53 =	vshll.u32 v3, $0x1  }
0x10d: {  	v3 =	vand.u32 $0x7, v3;
	v4 =	vand.u32 $0xFFFFFFF0, v53  }
0x10e: {  	v3 =	vor.u32 v3, v4  }
0x10f: {  	v4 =	vperm.xlane v3, v0;
	_ =	sdelay $0x1  }
0x110: {  	v3 =	vperm.xlane v3, v2;
	v4 =	vadd.s32 v1, v4;
	_ =	sdelay $0x1  }
0x111: {  	s26 =	sld [smem:$0x7FD];
	v3 =	vadd.s32 v1, v3;
	_ =	sdelay $0x2  }
0x112: {  	[tilespmem:s26], [sflag:$0x1] =	stream.indirect_vreg.gather [hbm4b:s1+s3], $0x80, v4, vm0, $0xb8;
	[tilespmem:$0x18200] =	vst v63  }
0x113: {  	s26 =	simm.s32 $0x15A00  }
0x114: {  	[tilespmem:s26], [sflag:$0x1] =	stream.indirect_vreg.gather [hbm4b:s1+s3], $0x80, v3, vm0, $0xb8;
	[tilespmem:$0x18200] =	vst v63  }
0x115: {  	v3 =	vld [tilespmem:$0x160];
	_ =	sdelay $0x4  }
0x116: {  	v54 =	vshll.u32 v3, $0x1  }
0x117: {  	v3 =	vand.u32 $0x7, v3;
	v4 =	vand.u32 $0xFFFFFFF0, v54  }
0x118: {  	v3 =	vor.u32 v3, v4  }
0x119: {  	v4 =	vperm.xlane v3, v0;
	_ =	sdelay $0x1  }
0x11a: {  	v3 =	vperm.xlane v3, v2;
	v4 =	vadd.s32 v1, v4;
	_ =	sdelay $0x1  }
0x11b: {  	v3 =	vadd.s32 v1, v3;
	_ =	sdelay $0x2  }
0x11c: {  	[tilespmem:s28], [sflag:$0x1] =	stream.indirect_vreg.gather [hbm4b:s1+s3], $0x80, v4, vm0, $0xb8;
	[tilespmem:$0x18200] =	vst v63  }
0x11d: {  	_ = 	snop  }
0x11e: {  	[tilespmem:s29], [sflag:$0x1] =	stream.indirect_vreg.gather [hbm4b:s1+s3], $0x80, v3, vm0, $0xb8;
	[tilespmem:$0x18200] =	vst v63  }
0x11f: {  	v3 =	vld [tilespmem:$0x170];
	_ =	sdelay $0x4  }
0x120: {  	v55 =	vshll.u32 v3, $0x1  }
0x121: {  	v3 =	vand.u32 $0x7, v3;
	v4 =	vand.u32 $0xFFFFFFF0, v55  }
0x122: {  	v3 =	vor.u32 v3, v4  }
0x123: {  	v4 =	vperm.xlane v3, v0;
	_ =	sdelay $0x1  }
0x124: {  	v3 =	vperm.xlane v3, v2;
	v4 =	vadd.s32 v1, v4;
	_ =	sdelay $0x1  }
0x125: {  	v3 =	vadd.s32 v1, v3;
	_ =	sdelay $0x2  }
0x126: {  	[tilespmem:s30], [sflag:$0x1] =	stream.indirect_vreg.gather [hbm4b:s1+s3], $0x80, v4, vm0, $0xb8;
	[tilespmem:$0x18200] =	vst v63  }
0x127: {  	_ = 	snop  }
0x128: {  	[tilespmem:s31], [sflag:$0x1] =	stream.indirect_vreg.gather [hbm4b:s1+s3], $0x80, v3, vm0, $0xb8;
	[tilespmem:$0x18200] =	vst v63  }
0x129: {  	_ =	swait.ge [sflag:s24], $0x8000  }
0x12a: {  	[sflag:s24] =	ssyncset.done $0x0  }
0x12b: {  	s26 =	rddreg [dreg:$0x5];
	[sflag:s24] =	ssyncadd.s32 $0xFFFF8000  }
0x12c: {  	[hbm4b:s26+s3] =	stream.linear.scatter [tilespmem:s23], [sflag:$0x2], $0x8000, $0x38;
	[tilespmem:$0x18200] =	vst v63  }
0x12d: {  	_ =	swait.ge [sflag:s0], $0x8000  }
0x12e: {  	[sflag:s0] =	ssyncset.done $0x0  }
0x12f: {  	[sflag:s0] =	ssyncadd.s32 $0xFFFF8000  }
0x130: {  	v3 =	vld [tilespmem:$0x180];
	_ =	sdelay $0x4  }
0x131: {  	v56 =	vshll.u32 v3, $0x1  }
0x132: {  	v3 =	vand.u32 $0x7, v3;
	v4 =	vand.u32 $0xFFFFFFF0, v56  }
0x133: {  	v3 =	vor.u32 v3, v4  }
0x134: {  	v4 =	vperm.xlane v3, v0;
	_ =	sdelay $0x1  }
0x135: {  	v3 =	vperm.xlane v3, v2;
	v4 =	vadd.s32 v1, v4;
	_ =	sdelay $0x1  }
0x136: {  	v3 =	vadd.s32 v1, v3;
	_ =	sdelay $0x2  }
0x137: {  	[tilespmem:s7], [sflag:$0x1] =	stream.indirect_vreg.gather [hbm4b:s1+s3], $0x80, v4, vm0, $0xb8;
	[tilespmem:$0x18200] =	vst v63  }
0x138: {  	_ = 	snop  }
0x139: {  	[tilespmem:s8], [sflag:$0x1] =	stream.indirect_vreg.gather [hbm4b:s1+s3], $0x80, v3, vm0, $0xb8;
	[tilespmem:$0x18200] =	vst v63  }
0x13a: {  	v3 =	vld [tilespmem:$0x190];
	_ =	sdelay $0x4  }
0x13b: {  	v57 =	vshll.u32 v3, $0x1  }
0x13c: {  	v3 =	vand.u32 $0x7, v3;
	v4 =	vand.u32 $0xFFFFFFF0, v57  }
0x13d: {  	v3 =	vor.u32 v3, v4  }
0x13e: {  	v4 =	vperm.xlane v3, v0;
	_ =	sdelay $0x1  }
0x13f: {  	v3 =	vperm.xlane v3, v2;
	v4 =	vadd.s32 v1, v4;
	_ =	sdelay $0x1  }
0x140: {  	v3 =	vadd.s32 v1, v3;
	_ =	sdelay $0x2  }
0x141: {  	[tilespmem:s9], [sflag:$0x1] =	stream.indirect_vreg.gather [hbm4b:s1+s3], $0x80, v4, vm0, $0xb8;
	[tilespmem:$0x18200] =	vst v63  }
0x142: {  	_ = 	snop  }
0x143: {  	[tilespmem:s10], [sflag:$0x1] =	stream.indirect_vreg.gather [hbm4b:s1+s3], $0x80, v3, vm0, $0xb8;
	[tilespmem:$0x18200] =	vst v63  }
0x144: {  	v3 =	vld [tilespmem:$0x1A0];
	_ =	sdelay $0x4  }
0x145: {  	v58 =	vshll.u32 v3, $0x1  }
0x146: {  	v3 =	vand.u32 $0x7, v3;
	v4 =	vand.u32 $0xFFFFFFF0, v58  }
0x147: {  	v3 =	vor.u32 v3, v4  }
0x148: {  	v4 =	vperm.xlane v3, v0;
	_ =	sdelay $0x1  }
0x149: {  	v3 =	vperm.xlane v3, v2;
	v4 =	vadd.s32 v1, v4;
	_ =	sdelay $0x1  }
0x14a: {  	v3 =	vadd.s32 v1, v3;
	_ =	sdelay $0x2  }
0x14b: {  	[tilespmem:s11], [sflag:$0x1] =	stream.indirect_vreg.gather [hbm4b:s1+s3], $0x80, v4, vm0, $0xb8;
	[tilespmem:$0x18200] =	vst v63  }
0x14c: {  	_ = 	snop  }
0x14d: {  	[tilespmem:s12], [sflag:$0x1] =	stream.indirect_vreg.gather [hbm4b:s1+s3], $0x80, v3, vm0, $0xb8;
	[tilespmem:$0x18200] =	vst v63  }
0x14e: {  	v3 =	vld [tilespmem:$0x1B0];
	_ =	sdelay $0x4  }
0x14f: {  	v59 =	vshll.u32 v3, $0x1  }
0x150: {  	v3 =	vand.u32 $0x7, v3;
	v4 =	vand.u32 $0xFFFFFFF0, v59  }
0x151: {  	v3 =	vor.u32 v3, v4  }
0x152: {  	v4 =	vperm.xlane v3, v0;
	_ =	sdelay $0x1  }
0x153: {  	v3 =	vperm.xlane v3, v2;
	v4 =	vadd.s32 v1, v4;
	_ =	sdelay $0x1  }
0x154: {  	v3 =	vadd.s32 v1, v3;
	_ =	sdelay $0x2  }
0x155: {  	[tilespmem:s13], [sflag:$0x1] =	stream.indirect_vreg.gather [hbm4b:s1+s3], $0x80, v4, vm0, $0xb8;
	[tilespmem:$0x18200] =	vst v63  }
0x156: {  	_ = 	snop  }
0x157: {  	[tilespmem:s14], [sflag:$0x1] =	stream.indirect_vreg.gather [hbm4b:s1+s3], $0x80, v3, vm0, $0xb8;
	[tilespmem:$0x18200] =	vst v63  }
0x158: {  	v3 =	vld [tilespmem:$0x1C0];
	_ =	sdelay $0x4  }
0x159: {  	v60 =	vshll.u32 v3, $0x1  }
0x15a: {  	v3 =	vand.u32 $0x7, v3;
	v4 =	vand.u32 $0xFFFFFFF0, v60  }
0x15b: {  	v3 =	vor.u32 v3, v4  }
0x15c: {  	v4 =	vperm.xlane v3, v0;
	_ =	sdelay $0x1  }
0x15d: {  	v3 =	vperm.xlane v3, v2;
	v4 =	vadd.s32 v1, v4;
	_ =	sdelay $0x1  }
0x15e: {  	v3 =	vadd.s32 v1, v3;
	_ =	sdelay $0x2  }
0x15f: {  	[tilespmem:s15], [sflag:$0x1] =	stream.indirect_vreg.gather [hbm4b:s1+s3], $0x80, v4, vm0, $0xb8;
	[tilespmem:$0x18200] =	vst v63  }
0x160: {  	_ = 	snop  }
0x161: {  	[tilespmem:s16], [sflag:$0x1] =	stream.indirect_vreg.gather [hbm4b:s1+s3], $0x80, v3, vm0, $0xb8;
	[tilespmem:$0x18200] =	vst v63  }
0x162: {  	v3 =	vld [tilespmem:$0x1D0];
	_ =	sdelay $0x4  }
0x163: {  	v61 =	vshll.u32 v3, $0x1  }
0x164: {  	v3 =	vand.u32 $0x7, v3;
	v4 =	vand.u32 $0xFFFFFFF0, v61  }
0x165: {  	v3 =	vor.u32 v3, v4  }
0x166: {  	v4 =	vperm.xlane v3, v0;
	_ =	sdelay $0x1  }
0x167: {  	v3 =	vperm.xlane v3, v2;
	v4 =	vadd.s32 v1, v4;
	_ =	sdelay $0x1  }
0x168: {  	v3 =	vadd.s32 v1, v3;
	_ =	sdelay $0x2  }
0x169: {  	[tilespmem:s17], [sflag:$0x1] =	stream.indirect_vreg.gather [hbm4b:s1+s3], $0x80, v4, vm0, $0xb8;
	[tilespmem:$0x18200] =	vst v63  }
0x16a: {  	_ = 	snop  }
0x16b: {  	[tilespmem:s18], [sflag:$0x1] =	stream.indirect_vreg.gather [hbm4b:s1+s3], $0x80, v3, vm0, $0xb8;
	[tilespmem:$0x18200] =	vst v63  }
0x16c: {  	v3 =	vld [tilespmem:$0x1E0];
	_ =	sdelay $0x4  }
0x16d: {  	v62 =	vshll.u32 v3, $0x1  }
0x16e: {  	v3 =	vand.u32 $0x7, v3;
	v4 =	vand.u32 $0xFFFFFFF0, v62  }
0x16f: {  	v3 =	vor.u32 v3, v4  }
0x170: {  	v4 =	vperm.xlane v3, v0;
	_ =	sdelay $0x1  }
0x171: {  	v3 =	vperm.xlane v3, v2;
	v4 =	vadd.s32 v1, v4;
	_ =	sdelay $0x1  }
0x172: {  	v3 =	vadd.s32 v1, v3;
	_ =	sdelay $0x2  }
0x173: {  	[tilespmem:s19], [sflag:$0x1] =	stream.indirect_vreg.gather [hbm4b:s1+s3], $0x80, v4, vm0, $0xb8;
	[tilespmem:$0x18200] =	vst v63  }
0x174: {  	_ = 	snop  }
0x175: {  	[tilespmem:s20], [sflag:$0x1] =	stream.indirect_vreg.gather [hbm4b:s1+s3], $0x80, v3, vm0, $0xb8;
	[tilespmem:$0x18200] =	vst v63  }
0x176: {  	v3 =	vld [tilespmem:$0x1F0];
	_ =	sdelay $0x4  }
0x177: {  	v63 =	vshll.u32 v3, $0x1  }
0x178: {  	v3 =	vand.u32 $0x7, v3;
	v4 =	vand.u32 $0xFFFFFFF0, v63  }
0x179: {  	v3 =	vor.u32 v3, v4  }
0x17a: {  	v4 =	vperm.xlane v3, v0;
	_ =	sdelay $0x1  }
0x17b: {  	v3 =	vperm.xlane v3, v2;
	v4 =	vadd.s32 v1, v4;
	_ =	sdelay $0x1  }
0x17c: {  	v3 =	vadd.s32 v1, v3;
	_ =	sdelay $0x2  }
0x17d: {  	[tilespmem:s21], [sflag:$0x1] =	stream.indirect_vreg.gather [hbm4b:s1+s3], $0x80, v4, vm0, $0xb8;
	[tilespmem:$0x18200] =	vst v63  }
0x17e: {  	_ = 	snop  }
0x17f: {  	[tilespmem:s22], [sflag:$0x1] =	stream.indirect_vreg.gather [hbm4b:s1+s3], $0x80, v3, vm0, $0xb8;
	[tilespmem:$0x18200] =	vst v63  }
0x180: {  	_ =	swait.ge [sflag:s24], $0x8000  }
0x181: {  	[sflag:s24] =	ssyncset.done $0x0  }
0x182: {  	s26 =	rddreg [dreg:$0x6];
	[sflag:s24] =	ssyncadd.s32 $0xFFFF8000  }
0x183: {  	[hbm4b:s26+s3] =	stream.linear.scatter [tilespmem:s25], [sflag:$0x2], $0x8000, $0x38;
	[tilespmem:$0x18200] =	vst v63  }
0x184: {  	_ =	swait.ge [sflag:s0], $0x8000  }
0x185: {  	[sflag:s0] =	ssyncset.done $0x0  }
0x186: {  	[sflag:s0] =	ssyncadd.s32 $0xFFFF8000  }
0x187: {  	_ =	swait.ge [sflag:s24], $0x8000  }
0x188: {  	[sflag:s24] =	ssyncset.done $0x0  }
0x189: {  	s26 =	rddreg [dreg:$0x7];
	[sflag:s24] =	ssyncadd.s32 $0xFFFF8000  }
0x18a: {  	[hbm4b:s26+s3] =	stream.linear.scatter [tilespmem:s7], [sflag:$0x2], $0x8000, $0x38;
	[tilespmem:$0x18200] =	vst v63  }
0x18b: {  	p0 =	sne.s32 s5, $0x1;
	_ =	swait.ge [sflag:s0], $0x8000  }
.Ltmp0:
0x18c: {  	[sflag:s0] =	ssyncset.done $0x0;
	(pc) =	sbr.rel @p0 .LBB2_1-.Ltmp0, $4  }
0x18d: {  	[sflag:s0] =	ssyncadd.s32 $0xFFFF8000  }
0x18e: {  	_ =	swait.ge [sflag:s0], $0x8000  }
0x18f: {  	[sflag:s0] =	ssyncset.done $0x0  }
0x190: {  	s5 =	sadd.s32 $0xFFFFFFFF, s5;
	[sflag:s0] =	ssyncadd.s32 $0xFFFF8000  }
0x191: {  	_ =	sfence.sel $0x180000  }
0x192: {  	[bflag:$0x0] =	sbarrier.arrive $0xFFFF  }
0x193: {  	_ =	strace $0x90000047  }
0x194: {  	s0 =	stileid.u32;
	[bflag:$0x2] =	sbarrier.arrive $0xFFFF  }
0x195: {  	p0 =	sne.s32 s0, $0x0;
	s0 =	rddreg [dreg:$0x3]  }
0x196: {  	s0 =	sadd.s32 @!p0 $0x100000, s0  }
0x197: {  	[sflag:s0] =	ssyncadd.tile.s32 @!p0 $0x1;
	_ =	shalt  }
.Lfunc_end2:
_tile_overlayer_lowered:
.L_overlay_start_2:
0x198: {  	(tag) =	ssettag $0x2  }
0x199: {  	s0 =	rddreg [dreg:$0x0];
	s2 =	stileid.u32  }
0x19a: {  	s1 =	rddreg [dreg:$0x1];
	p0 =	sne.s32 s2, $0x0  }
0x19b: {  	s3 =	rddreg [dreg:$0x2];
	[bflag:$0x3] =	sbarrier.arrive $0xFFFF;
	s2 =	simm.s32 @!p0 $0x1C03  }
0x19c: {  	[timem:s3], [sflag:s2] =	dma.local @!p0 [hbm:s0], s1  }
0x19d: {  	s0 =	simm.s32 @!p0 $0x3  }
0x19e: {  	_ =	swait.ge @!p0 [sflag:s0], s1  }
0x19f: {  	s1 =	ssub.s32 @!p0 $0x0, s1;
	[sflag:s0] =	ssyncset.done @!p0 $0x0  }
0x1a0: {  	[sflag:s0] =	ssyncadd.s32 @!p0 s1  }
0x1a1: {  	[bflag:$0x3] =	sbarrier.arrive $0xFFFF  }
0x1a2: {  	_ =	shalt  }

</sc_bundles>
